<compile_context>
chip_gen: v7x
topology: tpu7x:2x2x1
jax: 0.10.2.dev20260603
libtpu: 0.0.44.dev20260713+nightly
codegen_flags: <defaults>
</compile_context>

<pallas_src>
import jax
import jax.numpy as jnp
from jax import lax
from jax.experimental import pallas as pl
from jax.experimental.pallas import tpu as pltpu
from jax.experimental.pallas import tpu_sc as plsc

F = 26
V = 100000
E = 32
B = 4096
NUMD = 13
OUT = 128
H1, H2 = 512, 256
D_IN = E + F * E
FE = F * E

NC, NS = 2, 16
NW = NC * NS
RPW = FE // NW
BPW = B // NW

BT = 512


def _sc_gather_body(tabT, bias_tab, idx_hbm, embT_out, first_out,
                    idx_v, idxf_v, gidx_a, gidx_b, dst_a, dst_b,
                    acc_v, bv_v, sem_a, sem_b, sem_c):
    c = lax.axis_index("c")
    s = lax.axis_index("s")
    wid = s * NC + c
    r0 = wid * RPW
    f0 = r0 // E

    pltpu.sync_copy(idx_hbm.at[f0], idx_v.at[0])
    f1 = jnp.minimum(f0 + 1, F - 1)
    pltpu.sync_copy(idx_hbm.at[f1], idx_v.at[1])

    def mk_gidx(t, gidx):
        r = r0 + t
        fsel = r // E - f0
        roff = r * V

        def grp(j, carry):
            gidx[pl.ds(j * 16, 16)] = idx_v[fsel, pl.ds(j * 16, 16)] + roff
            return carry

        lax.fori_loop(0, B // 16, grp, 0)

    def fire(t, gidx, dst, sem):
        mk_gidx(t, gidx)
        pltpu.async_copy(tabT.at[gidx], dst, sem)

    def drain_write(t, gidx, dst, sem):
        pltpu.make_async_copy(tabT.at[gidx], dst, sem).wait()
        pltpu.sync_copy(dst, embT_out.at[r0 + t])

    fire(0, gidx_a, dst_a, sem_a)
    fire(1, gidx_b, dst_b, sem_b)

    def step(t2, carry):
        t = t2 * 2
        drain_write(t, gidx_a, dst_a, sem_a)
        fire(t + 2, gidx_a, dst_a, sem_a)
        drain_write(t + 1, gidx_b, dst_b, sem_b)
        fire(t + 3, gidx_b, dst_b, sem_b)
        return carry

    lax.fori_loop(0, RPW // 2 - 1, step, 0)
    drain_write(RPW - 2, gidx_a, dst_a, sem_a)
    drain_write(RPW - 1, gidx_b, dst_b, sem_b)

    pltpu.sync_copy(idx_hbm.at[:, pl.ds(wid * BPW, BPW)], idxf_v)
    zeros = jnp.zeros((16,), jnp.float32)
    for j in range(BPW // 16):
        acc_v[pl.ds(j * 16, 16)] = zeros

    def bias_f(f, carry):
        pltpu.async_copy(bias_tab.at[idxf_v.at[f]], bv_v, sem_c).wait()

        def addg(j, carry2):
            sl = pl.ds(j * 16, 16)
            acc_v[sl] = acc_v[sl] + bv_v[sl]
            return carry2

        lax.fori_loop(0, BPW // 16, addg, 0)
        return carry

    lax.fori_loop(0, F, bias_f, 0)
    pltpu.sync_copy(acc_v, first_out.at[pl.ds(wid * BPW, BPW)])


def _sc_gather(tabT, bias_tab, idx):
    mesh = plsc.VectorSubcoreMesh(core_axis_name="c", subcore_axis_name="s",
                                  num_cores=NC, num_subcores=NS)
    call = pl.kernel(
        _sc_gather_body,
        out_type=(
            jax.ShapeDtypeStruct((FE, B), jnp.float32),
            jax.ShapeDtypeStruct((B,), jnp.float32),
        ),
        mesh=mesh,
        scratch_types=[
            pltpu.VMEM((2, B), jnp.int32),
            pltpu.VMEM((F, BPW), jnp.int32),
            pltpu.VMEM((B,), jnp.int32),
            pltpu.VMEM((B,), jnp.int32),
            pltpu.VMEM((B,), jnp.float32),
            pltpu.VMEM((B,), jnp.float32),
            pltpu.VMEM((BPW,), jnp.float32),
            pltpu.VMEM((BPW,), jnp.float32),
            pltpu.SemaphoreType.DMA,
            pltpu.SemaphoreType.DMA,
            pltpu.SemaphoreType.DMA,
        ],
        compiler_params=pltpu.CompilerParams(use_tc_tiling_on_sc=False),
    )
    return call(tabT, bias_tab, idx)


def _mlp_body(xnum, catT, first, Wn, bn, W1, b1, W2, b2, W3, b3, out):
    nemb = jnp.dot(xnum[...], Wn[...], preferred_element_type=jnp.float32)
    nemb = nemb + bn[...]
    h = jnp.dot(nemb, W1[0:E, :], preferred_element_type=jnp.float32)
    h = h + lax.dot_general(catT[...], W1[E:D_IN, :],
                            dimension_numbers=(((0,), (0,)), ((), ())),
                            preferred_element_type=jnp.float32)
    h = jnp.maximum(h + b1[...], 0.0)
    h = jnp.maximum(jnp.dot(h, W2[...], preferred_element_type=jnp.float32) + b2[...], 0.0)
    deep = jnp.dot(h, W3[...], preferred_element_type=jnp.float32) + b3[...]
    out[:, 0:OUT] = deep
    out[:, OUT:OUT + 1] = first[...]


def _mlp(xnum, catT, first, Wn, bn, W1, b1, W2, b2, W3, b3):
    grid = (B // BT,)
    full = lambda shape: pl.BlockSpec(shape, lambda i: (0, 0))
    return pl.pallas_call(
        _mlp_body,
        grid=grid,
        in_specs=[
            pl.BlockSpec((BT, NUMD), lambda i: (i, 0)),
            pl.BlockSpec((FE, BT), lambda i: (0, i)),
            pl.BlockSpec((BT, 1), lambda i: (i, 0)),
            full((NUMD, E)),
            full((1, E)),
            full((D_IN, H1)),
            full((1, H1)),
            full((H1, H2)),
            full((1, H2)),
            full((H2, OUT)),
            full((1, OUT)),
        ],
        out_specs=pl.BlockSpec((BT, OUT + 1), lambda i: (i, 0)),
        out_shape=jax.ShapeDtypeStruct((B, OUT + 1), jnp.float32),
    )(xnum, catT, first, Wn, bn, W1, b1, W2, b2, W3, b3)


def kernel(num_features, cat_features, feature_bias, cat_tables,
           W_num, b_num, W1, b1, W2, b2, W3, b3):
    idx = cat_features.astype(jnp.int32)
    tabT = cat_tables.transpose(0, 2, 1).reshape(FE * V)
    bias_flat = feature_bias.reshape(F * V)

    embT, first = _sc_gather(tabT, bias_flat, idx)
    first = first.reshape(B, 1)

    return _mlp(num_features, embT, first,
                W_num, b_num.reshape(1, E), W1, b1.reshape(1, H1),
                W2, b2.reshape(1, H2), W3, b3.reshape(1, OUT))

# --- scband reference (transcript-rebuilt; emitter-appended) ---
"""Pipeline reference for scband-deep-fm-55688545960002 (READ-ONLY COPY).

The authoritative reference and input builder live on the scoring server;
editing this copy changes nothing except your own understanding.
"""

import jax, jax.numpy as jnp
import numpy as np

NUM_FIELDS = 26
VOCAB = 100000
EMBED = 32
NUMD = 13
B = 4096
OUT = 128
H1, H2 = 512, 256
TOTAL_CAT = NUM_FIELDS * VOCAB
D_IN = EMBED + NUM_FIELDS * EMBED


def setup_inputs(seed: int = 0) -> dict:
    key = jax.random.key(seed)
    ks = jax.random.split(key, 12)
    num_features = jax.random.normal(ks[0], (B, NUMD), dtype=jnp.float32)
    cat_features = jax.random.randint(ks[1], (NUM_FIELDS, B), 0, VOCAB, dtype=jnp.int32).astype(jnp.int64)
    feature_bias = jax.random.normal(ks[2], (TOTAL_CAT, 1), dtype=jnp.float32) * 0.02
    cat_tables = jax.random.normal(ks[3], (NUM_FIELDS, VOCAB, EMBED), dtype=jnp.float32) * 0.02
    W_num = jax.random.normal(ks[4], (NUMD, EMBED), dtype=jnp.float32) * (1.0 / np.sqrt(NUMD))
    b_num = jnp.zeros((EMBED,), dtype=jnp.float32)
    W1 = jax.random.normal(ks[5], (D_IN, H1), dtype=jnp.float32) * (1.0 / np.sqrt(D_IN))
    b1 = jnp.zeros((H1,), dtype=jnp.float32)
    W2 = jax.random.normal(ks[6], (H1, H2), dtype=jnp.float32) * (1.0 / np.sqrt(H1))
    b2 = jnp.zeros((H2,), dtype=jnp.float32)
    W3 = jax.random.normal(ks[7], (H2, OUT), dtype=jnp.float32) * (1.0 / np.sqrt(H2))
    b3 = jnp.zeros((OUT,), dtype=jnp.float32)
    return {
        "num_features": num_features,
        "cat_features": cat_features,
        "feature_bias": feature_bias,
        "cat_tables": cat_tables,
        "W_num": W_num,
        "b_num": b_num,
        "W1": W1,
        "b1": b1,
        "W2": W2,
        "b2": b2,
        "W3": W3,
        "b3": b3,
    }


def reference(num_features, cat_features, feature_bias, cat_tables, W_num, b_num, W1, b1, W2, b2, W3, b3):
    # first-order term: shared bias table indexed by raw cat ids (faithful to original)
    cat_idx = cat_features.T  # [B, F]
    first_order = jnp.take(feature_bias, cat_idx, axis=0).sum(axis=1)  # [B, 1]
    # per-field embedding lookup
    emb = cat_tables[jnp.arange(NUM_FIELDS)[:, None], cat_features]  # [F, B, E]
    cat_embeds = jnp.transpose(emb, (1, 0, 2)).reshape(B, NUM_FIELDS * EMBED)  # [B, F*E]
    num_embeds = num_features @ W_num + b_num  # [B, E]
    fm_input = jnp.concatenate([num_embeds, cat_embeds], axis=1)  # [B, D_IN]
    h = jax.nn.relu(fm_input @ W1 + b1)
    h = jax.nn.relu(h @ W2 + b2)
    deep = h @ W3 + b3  # [B, OUT]
    return jnp.concatenate([deep, first_order], axis=1)  # [B, OUT+1]

if __name__ == "__main__":
    import jax
    _d = setup_inputs()
    print(jax.jit(kernel)(*tuple(_d.values())))

</pallas_src>

<mosaic_0001>
#map = affine_map<(d0, d1) -> (0)>
#map1 = affine_map<(d0, d1) -> (0, 0)>
module attributes {stable_mosaic.version = 14 : i64} {
  func.func @_sc_gather_body(%arg0: i32, %arg1: i32, %arg2: memref<83200000xf32, #tpu.memory_space<hbm>>, %arg3: memref<2600000xf32, #tpu.memory_space<hbm>>, %arg4: memref<26x4096xi32, #tpu.memory_space<hbm>>, %arg5: memref<832x4096xf32, #tpu.memory_space<hbm>>, %arg6: memref<4096xf32, #tpu.memory_space<hbm>>, %arg7: memref<2x4096xi32, #tpu.memory_space<vmem>>, %arg8: memref<26x128xi32, #tpu.memory_space<vmem>>, %arg9: memref<4096xi32, #tpu.memory_space<vmem>>, %arg10: memref<4096xi32, #tpu.memory_space<vmem>>, %arg11: memref<4096xf32, #tpu.memory_space<vmem>>, %arg12: memref<4096xf32, #tpu.memory_space<vmem>>, %arg13: memref<128xf32, #tpu.memory_space<vmem>>, %arg14: memref<128xf32, #tpu.memory_space<vmem>>, %arg15: memref<!tpu.dma_semaphore, #tpu.memory_space<semaphore_mem>>, %arg16: memref<!tpu.dma_semaphore, #tpu.memory_space<semaphore_mem>>, %arg17: memref<!tpu.dma_semaphore, #tpu.memory_space<semaphore_mem>>) attributes {dimension_semantics = [#tpu.dimension_semantics<core_parallel>, #tpu.dimension_semantics<subcore_parallel>], iteration_bounds = array<i64: 2, 16>, scalar_prefetch = 0 : i64, scratch_operands = 11 : i64, tpu.core_type = #tpu.core_type<sc_vector_subcore>, window_params = [{transform_indices = #map}, {transform_indices = #map}, {transform_indices = #map1}, {transform_indices = #map1}, {transform_indices = #map}]} {
    %mul3A = arith.constant 2 : i32
    %mul3A_0 = arith.muli %arg1, %mul3A : i32
    %add3A = arith.addi %mul3A_0, %arg0 : i32
    %mul3A_1 = arith.constant 26 : i32
    %mul3A_2 = arith.muli %add3A, %mul3A_1 : i32
    %jit3A = arith.constant 32 : i32
    %div3A = arith.divsi %mul3A_2, %jit3A : i32
    %sign3A = arith.constant 0 : i32
    %sign3A_3 = arith.cmpi sgt, %mul3A_2, %sign3A : i32
    %sign3A_4 = arith.extui %sign3A_3 : i1 to i32
    %sign3A_5 = arith.constant 0 : i32
    %sign3A_6 = arith.cmpi slt, %mul3A_2, %sign3A_5 : i32
    %sign3A_7 = arith.extui %sign3A_6 : i1 to i32
    %sign3A_8 = arith.subi %sign3A_4, %sign3A_7 : i32
    %sign3A_9 = arith.constant 0 : i32
    %sign3A_10 = arith.cmpi sgt, %jit3A, %sign3A_9 : i32
    %sign3A_11 = arith.extui %sign3A_10 : i1 to i32
    %sign3A_12 = arith.constant 0 : i32
    %sign3A_13 = arith.cmpi slt, %jit3A, %sign3A_12 : i32
    %sign3A_14 = arith.extui %sign3A_13 : i1 to i32
    %sign3A_15 = arith.subi %sign3A_11, %sign3A_14 : i32
    %ne3A = arith.cmpi ne, %sign3A_8, %sign3A_15 : i32
    %rem3A = arith.remsi %mul3A_2, %jit3A : i32
    %ne3A_16 = arith.constant 0 : i32
    %ne3A_17 = arith.cmpi ne, %rem3A, %ne3A_16 : i32
    %and3A = arith.andi %ne3A, %ne3A_17 : i1
    %sub3A = arith.constant 1 : i32
    %sub3A_18 = arith.subi %div3A, %sub3A : i32
    %select_n3A = arith.select %and3A, %sub3A_18, %div3A : i32
    %run_scoped3A = arith.constant 0 : i32
    "tpu.region"() ({
      %run_scoped3A_150 = tpu.sem_alloc : memref<!tpu.dma_semaphore, #tpu.memory_space<semaphore_mem>>
      %dma_start3A_151 = arith.constant 0 : i32
      %dma_start3A_152 = tpu.memref_slice %arg7[%run_scoped3A, %dma_start3A_151] : memref<2x4096xi32, #tpu.memory_space<vmem>> -> memref<1x4096xi32, #tpu.memory_space<vmem>>
      %dma_start3A_153 = tpu.memref_squeeze %dma_start3A_152 : memref<1x4096xi32, #tpu.memory_space<vmem>> -> memref<4096xi32, #tpu.memory_space<vmem>>
      %dma_start3A_154 = arith.constant 0 : i32
      %dma_start3A_155 = tpu.memref_slice %arg4[%select_n3A, %dma_start3A_154] : memref<26x4096xi32, #tpu.memory_space<hbm>> -> memref<1x4096xi32, #tpu.memory_space<hbm>>
      %dma_start3A_156 = tpu.memref_squeeze %dma_start3A_155 : memref<1x4096xi32, #tpu.memory_space<hbm>> -> memref<4096xi32, #tpu.memory_space<hbm>>
      %dma_start3A_157 = arith.constant 0 : i32
      %dma_start3A_158 = tpu.memref_slice %arg7[%run_scoped3A, %dma_start3A_157] : memref<2x4096xi32, #tpu.memory_space<vmem>> -> memref<1x4096xi32, #tpu.memory_space<vmem>>
      %dma_start3A_159 = tpu.memref_squeeze %dma_start3A_158 : memref<1x4096xi32, #tpu.memory_space<vmem>> -> memref<4096xi32, #tpu.memory_space<vmem>>
      %dma_start3A_160 = arith.constant 0 : i32
      %dma_start3A_161 = tpu.memref_slice %arg4[%select_n3A, %dma_start3A_160] : memref<26x4096xi32, #tpu.memory_space<hbm>> -> memref<1x4096xi32, #tpu.memory_space<hbm>>
      %dma_start3A_162 = tpu.memref_squeeze %dma_start3A_161 : memref<1x4096xi32, #tpu.memory_space<hbm>> -> memref<4096xi32, #tpu.memory_space<hbm>>
      tpu.enqueue_dma source(%dma_start3A_162 : memref<4096xi32, #tpu.memory_space<hbm>>) target(%dma_start3A_159 : memref<4096xi32, #tpu.memory_space<vmem>>) target_semaphore(%run_scoped3A_150 : memref<!tpu.dma_semaphore, #tpu.memory_space<semaphore_mem>>)
      %dma_wait3A_163 = arith.constant 0 : i32
      %dma_wait3A_164 = tpu.memref_slice %arg7[%run_scoped3A, %dma_wait3A_163] : memref<2x4096xi32, #tpu.memory_space<vmem>> -> memref<1x4096xi32, #tpu.memory_space<vmem>>
      %dma_wait3A_165 = tpu.memref_squeeze %dma_wait3A_164 : memref<1x4096xi32, #tpu.memory_space<vmem>> -> memref<4096xi32, #tpu.memory_space<vmem>>
      %dma_wait3A_166 = arith.constant 0 : i32
      %dma_wait3A_167 = tpu.memref_slice %arg4[%select_n3A, %dma_wait3A_166] : memref<26x4096xi32, #tpu.memory_space<hbm>> -> memref<1x4096xi32, #tpu.memory_space<hbm>>
      %dma_wait3A_168 = tpu.memref_squeeze %dma_wait3A_167 : memref<1x4096xi32, #tpu.memory_space<hbm>> -> memref<4096xi32, #tpu.memory_space<hbm>>
      %dma_wait3A_169 = arith.constant 0 : i32
      %dma_wait3A_170 = tpu.memref_slice %arg7[%run_scoped3A, %dma_wait3A_169] : memref<2x4096xi32, #tpu.memory_space<vmem>> -> memref<1x4096xi32, #tpu.memory_space<vmem>>
      %dma_wait3A_171 = tpu.memref_squeeze %dma_wait3A_170 : memref<1x4096xi32, #tpu.memory_space<vmem>> -> memref<4096xi32, #tpu.memory_space<vmem>>
      %dma_wait3A_172 = arith.constant 0 : i32
      %dma_wait3A_173 = tpu.memref_slice %arg4[%select_n3A, %dma_wait3A_172] : memref<26x4096xi32, #tpu.memory_space<hbm>> -> memref<1x4096xi32, #tpu.memory_space<hbm>>
      %dma_wait3A_174 = tpu.memref_squeeze %dma_wait3A_173 : memref<1x4096xi32, #tpu.memory_space<hbm>> -> memref<4096xi32, #tpu.memory_space<hbm>>
      tpu.wait_dma2 semaphore(%run_scoped3A_150 : memref<!tpu.dma_semaphore, #tpu.memory_space<semaphore_mem>>) src(%dma_wait3A_174 : memref<4096xi32, #tpu.memory_space<hbm>>) dst(%dma_wait3A_171 : memref<4096xi32, #tpu.memory_space<vmem>>)
      tpu.yield
    }) : () -> ()
    %add3A_19 = arith.constant 1 : i32
    %add3A_20 = arith.addi %select_n3A, %add3A_19 : i32
    %min3A = arith.constant 25 : i32
    %min3A_21 = arith.minsi %add3A_20, %min3A : i32
    %run_scoped3A_22 = arith.constant 1 : i32
    "tpu.region"() ({
      %run_scoped3A_150 = tpu.sem_alloc : memref<!tpu.dma_semaphore, #tpu.memory_space<semaphore_mem>>
      %dma_start3A_151 = arith.constant 0 : i32
      %dma_start3A_152 = tpu.memref_slice %arg7[%run_scoped3A_22, %dma_start3A_151] : memref<2x4096xi32, #tpu.memory_space<vmem>> -> memref<1x4096xi32, #tpu.memory_space<vmem>>
      %dma_start3A_153 = tpu.memref_squeeze %dma_start3A_152 : memref<1x4096xi32, #tpu.memory_space<vmem>> -> memref<4096xi32, #tpu.memory_space<vmem>>
      %dma_start3A_154 = arith.constant 0 : i32
      %dma_start3A_155 = tpu.memref_slice %arg4[%min3A_21, %dma_start3A_154] : memref<26x4096xi32, #tpu.memory_space<hbm>> -> memref<1x4096xi32, #tpu.memory_space<hbm>>
      %dma_start3A_156 = tpu.memref_squeeze %dma_start3A_155 : memref<1x4096xi32, #tpu.memory_space<hbm>> -> memref<4096xi32, #tpu.memory_space<hbm>>
      %dma_start3A_157 = arith.constant 0 : i32
      %dma_start3A_158 = tpu.memref_slice %arg7[%run_scoped3A_22, %dma_start3A_157] : memref<2x4096xi32, #tpu.memory_space<vmem>> -> memref<1x4096xi32, #tpu.memory_space<vmem>>
      %dma_start3A_159 = tpu.memref_squeeze %dma_start3A_158 : memref<1x4096xi32, #tpu.memory_space<vmem>> -> memref<4096xi32, #tpu.memory_space<vmem>>
      %dma_start3A_160 = arith.constant 0 : i32
      %dma_start3A_161 = tpu.memref_slice %arg4[%min3A_21, %dma_start3A_160] : memref<26x4096xi32, #tpu.memory_space<hbm>> -> memref<1x4096xi32, #tpu.memory_space<hbm>>
      %dma_start3A_162 = tpu.memref_squeeze %dma_start3A_161 : memref<1x4096xi32, #tpu.memory_space<hbm>> -> memref<4096xi32, #tpu.memory_space<hbm>>
      tpu.enqueue_dma source(%dma_start3A_162 : memref<4096xi32, #tpu.memory_space<hbm>>) target(%dma_start3A_159 : memref<4096xi32, #tpu.memory_space<vmem>>) target_semaphore(%run_scoped3A_150 : memref<!tpu.dma_semaphore, #tpu.memory_space<semaphore_mem>>)
      %dma_wait3A_163 = arith.constant 0 : i32
      %dma_wait3A_164 = tpu.memref_slice %arg7[%run_scoped3A_22, %dma_wait3A_163] : memref<2x4096xi32, #tpu.memory_space<vmem>> -> memref<1x4096xi32, #tpu.memory_space<vmem>>
      %dma_wait3A_165 = tpu.memref_squeeze %dma_wait3A_164 : memref<1x4096xi32, #tpu.memory_space<vmem>> -> memref<4096xi32, #tpu.memory_space<vmem>>
      %dma_wait3A_166 = arith.constant 0 : i32
      %dma_wait3A_167 = tpu.memref_slice %arg4[%min3A_21, %dma_wait3A_166] : memref<26x4096xi32, #tpu.memory_space<hbm>> -> memref<1x4096xi32, #tpu.memory_space<hbm>>
      %dma_wait3A_168 = tpu.memref_squeeze %dma_wait3A_167 : memref<1x4096xi32, #tpu.memory_space<hbm>> -> memref<4096xi32, #tpu.memory_space<hbm>>
      %dma_wait3A_169 = arith.constant 0 : i32
      %dma_wait3A_170 = tpu.memref_slice %arg7[%run_scoped3A_22, %dma_wait3A_169] : memref<2x4096xi32, #tpu.memory_space<vmem>> -> memref<1x4096xi32, #tpu.memory_space<vmem>>
      %dma_wait3A_171 = tpu.memref_squeeze %dma_wait3A_170 : memref<1x4096xi32, #tpu.memory_space<vmem>> -> memref<4096xi32, #tpu.memory_space<vmem>>
      %dma_wait3A_172 = arith.constant 0 : i32
      %dma_wait3A_173 = tpu.memref_slice %arg4[%min3A_21, %dma_wait3A_172] : memref<26x4096xi32, #tpu.memory_space<hbm>> -> memref<1x4096xi32, #tpu.memory_space<hbm>>
      %dma_wait3A_174 = tpu.memref_squeeze %dma_wait3A_173 : memref<1x4096xi32, #tpu.memory_space<hbm>> -> memref<4096xi32, #tpu.memory_space<hbm>>
      tpu.wait_dma2 semaphore(%run_scoped3A_150 : memref<!tpu.dma_semaphore, #tpu.memory_space<semaphore_mem>>) src(%dma_wait3A_174 : memref<4096xi32, #tpu.memory_space<hbm>>) dst(%dma_wait3A_171 : memref<4096xi32, #tpu.memory_space<vmem>>)
      tpu.yield
    }) : () -> ()
    %add3A_23 = arith.constant 0 : i32
    %add3A_24 = arith.addi %mul3A_2, %add3A_23 : i32
    %jit3A_25 = arith.constant 32 : i32
    %div3A_26 = arith.divsi %add3A_24, %jit3A_25 : i32
    %sign3A_27 = arith.constant 0 : i32
    %sign3A_28 = arith.cmpi sgt, %add3A_24, %sign3A_27 : i32
    %sign3A_29 = arith.extui %sign3A_28 : i1 to i32
    %sign3A_30 = arith.constant 0 : i32
    %sign3A_31 = arith.cmpi slt, %add3A_24, %sign3A_30 : i32
    %sign3A_32 = arith.extui %sign3A_31 : i1 to i32
    %sign3A_33 = arith.subi %sign3A_29, %sign3A_32 : i32
    %sign3A_34 = arith.constant 0 : i32
    %sign3A_35 = arith.cmpi sgt, %jit3A_25, %sign3A_34 : i32
    %sign3A_36 = arith.extui %sign3A_35 : i1 to i32
    %sign3A_37 = arith.constant 0 : i32
    %sign3A_38 = arith.cmpi slt, %jit3A_25, %sign3A_37 : i32
    %sign3A_39 = arith.extui %sign3A_38 : i1 to i32
    %sign3A_40 = arith.subi %sign3A_36, %sign3A_39 : i32
    %ne3A_41 = arith.cmpi ne, %sign3A_33, %sign3A_40 : i32
    %rem3A_42 = arith.remsi %add3A_24, %jit3A_25 : i32
    %ne3A_43 = arith.constant 0 : i32
    %ne3A_44 = arith.cmpi ne, %rem3A_42, %ne3A_43 : i32
    %and3A_45 = arith.andi %ne3A_41, %ne3A_44 : i1
    %sub3A_46 = arith.constant 1 : i32
    %sub3A_47 = arith.subi %div3A_26, %sub3A_46 : i32
    %select_n3A_48 = arith.select %and3A_45, %sub3A_47, %div3A_26 : i32
    %sub3A_49 = arith.subi %select_n3A_48, %select_n3A : i32
    %mul3A_50 = arith.constant 100000 : i32
    %mul3A_51 = arith.muli %add3A_24, %mul3A_50 : i32
    %scan3A = arith.constant 0 : i32
    %scan3A_52 = arith.constant 0 : i32
    %scan3A_53 = arith.constant 256 : i32
    %scan3A_54 = arith.addi %scan3A_52, %scan3A_53 : i32
    %scan3A_55 = arith.constant 1 : i32
    scf.for %scan3A_150 = %scan3A_52 to %scan3A_54 step %scan3A_55  : i32 {
      %mul3A_151 = arith.constant 16 : i32
      %mul3A_152 = arith.muli %scan3A_150, %mul3A_151 : i32
      %get3A = arith.index_cast %sub3A_49 : i32 to index
      %get3A_153 = arith.index_cast %mul3A_152 : i32 to index
      %get3A_154 = tpu.vector_load %arg7[%get3A, %get3A_153] {strides = array<i32>} : memref<2x4096xi32, #tpu.memory_space<vmem>>, vector<1x16xi32>,
      %get3A_155 = vector.shape_cast %get3A_154 : vector<1x16xi32> to vector<16xi32>
      %add3A_156 = vector.broadcast %mul3A_51 : i32 to vector<16xi32>
      %add3A_157 = arith.addi %get3A_155, %add3A_156 : vector<16xi32>
      %mul3A_158 = arith.constant 16 : i32
      %mul3A_159 = arith.muli %scan3A_150, %mul3A_158 : i32
      %swap3A_160 = arith.index_cast %mul3A_159 : i32 to index
      %swap3A_161 = tpu.vector_load %arg9[%swap3A_160] {strides = array<i32>} : memref<4096xi32, #tpu.memory_space<vmem>>, vector<16xi32>,
      %swap3A_162 = vector.shape_cast %swap3A_161 : vector<16xi32> to vector<16xi32>
      %swap3A_163 = vector.shape_cast %add3A_157 : vector<16xi32> to vector<16xi32>
      tpu.vector_store %arg9[%swap3A_160], %swap3A_163 {strides = array<i32>} : memref<4096xi32, #tpu.memory_space<vmem>>, vector<16xi32>,
    }
    %scan3A_56 = arith.constant 256 : i32
    %dma_start3A = arith.constant 0 : i32
    %dma_start3A_57 = tpu.memref_slice %arg2[%dma_start3A] : memref<83200000xf32, #tpu.memory_space<hbm>> -> memref<83200000xf32, #tpu.memory_space<hbm>>
    tpu.enqueue_indirect_dma source(%dma_start3A_57 : memref<83200000xf32, #tpu.memory_space<hbm>>) target(%arg11 : memref<4096xf32, #tpu.memory_space<vmem>>) offsets(%arg9 : memref<4096xi32, #tpu.memory_space<vmem>>) semaphore(%arg15 : memref<!tpu.dma_semaphore, #tpu.memory_space<semaphore_mem>>)
    %add3A_58 = arith.constant 1 : i32
    %add3A_59 = arith.addi %mul3A_2, %add3A_58 : i32
    %jit3A_60 = arith.constant 32 : i32
    %div3A_61 = arith.divsi %add3A_59, %jit3A_60 : i32
    %sign3A_62 = arith.constant 0 : i32
    %sign3A_63 = arith.cmpi sgt, %add3A_59, %sign3A_62 : i32
    %sign3A_64 = arith.extui %sign3A_63 : i1 to i32
    %sign3A_65 = arith.constant 0 : i32
    %sign3A_66 = arith.cmpi slt, %add3A_59, %sign3A_65 : i32
    %sign3A_67 = arith.extui %sign3A_66 : i1 to i32
    %sign3A_68 = arith.subi %sign3A_64, %sign3A_67 : i32
    %sign3A_69 = arith.constant 0 : i32
    %sign3A_70 = arith.cmpi sgt, %jit3A_60, %sign3A_69 : i32
    %sign3A_71 = arith.extui %sign3A_70 : i1 to i32
    %sign3A_72 = arith.constant 0 : i32
    %sign3A_73 = arith.cmpi slt, %jit3A_60, %sign3A_72 : i32
    %sign3A_74 = arith.extui %sign3A_73 : i1 to i32
    %sign3A_75 = arith.subi %sign3A_71, %sign3A_74 : i32
    %ne3A_76 = arith.cmpi ne, %sign3A_68, %sign3A_75 : i32
    %rem3A_77 = arith.remsi %add3A_59, %jit3A_60 : i32
    %ne3A_78 = arith.constant 0 : i32
    %ne3A_79 = arith.cmpi ne, %rem3A_77, %ne3A_78 : i32
    %and3A_80 = arith.andi %ne3A_76, %ne3A_79 : i1
    %sub3A_81 = arith.constant 1 : i32
    %sub3A_82 = arith.subi %div3A_61, %sub3A_81 : i32
    %select_n3A_83 = arith.select %and3A_80, %sub3A_82, %div3A_61 : i32
    %sub3A_84 = arith.subi %select_n3A_83, %select_n3A : i32
    %mul3A_85 = arith.constant 100000 : i32
    %mul3A_86 = arith.muli %add3A_59, %mul3A_85 : i32
    %scan3A_87 = arith.constant 0 : i32
    %scan3A_88 = arith.constant 0 : i32
    %scan3A_89 = arith.constant 256 : i32
    %scan3A_90 = arith.addi %scan3A_88, %scan3A_89 : i32
    %scan3A_91 = arith.constant 1 : i32
    scf.for %scan3A_150 = %scan3A_88 to %scan3A_90 step %scan3A_91  : i32 {
      %mul3A_151 = arith.constant 16 : i32
      %mul3A_152 = arith.muli %scan3A_150, %mul3A_151 : i32
      %get3A = arith.index_cast %sub3A_84 : i32 to index
      %get3A_153 = arith.index_cast %mul3A_152 : i32 to index
      %get3A_154 = tpu.vector_load %arg7[%get3A, %get3A_153] {strides = array<i32>} : memref<2x4096xi32, #tpu.memory_space<vmem>>, vector<1x16xi32>,
      %get3A_155 = vector.shape_cast %get3A_154 : vector<1x16xi32> to vector<16xi32>
      %add3A_156 = vector.broadcast %mul3A_86 : i32 to vector<16xi32>
      %add3A_157 = arith.addi %get3A_155, %add3A_156 : vector<16xi32>
      %mul3A_158 = arith.constant 16 : i32
      %mul3A_159 = arith.muli %scan3A_150, %mul3A_158 : i32
      %swap3A_160 = arith.index_cast %mul3A_159 : i32 to index
      %swap3A_161 = tpu.vector_load %arg10[%swap3A_160] {strides = array<i32>} : memref<4096xi32, #tpu.memory_space<vmem>>, vector<16xi32>,
      %swap3A_162 = vector.shape_cast %swap3A_161 : vector<16xi32> to vector<16xi32>
      %swap3A_163 = vector.shape_cast %add3A_157 : vector<16xi32> to vector<16xi32>
      tpu.vector_store %arg10[%swap3A_160], %swap3A_163 {strides = array<i32>} : memref<4096xi32, #tpu.memory_space<vmem>>, vector<16xi32>,
    }
    %scan3A_92 = arith.constant 256 : i32
    %dma_start3A_93 = arith.constant 0 : i32
    %dma_start3A_94 = tpu.memref_slice %arg2[%dma_start3A_93] : memref<83200000xf32, #tpu.memory_space<hbm>> -> memref<83200000xf32, #tpu.memory_space<hbm>>
    tpu.enqueue_indirect_dma source(%dma_start3A_94 : memref<83200000xf32, #tpu.memory_space<hbm>>) target(%arg12 : memref<4096xf32, #tpu.memory_space<vmem>>) offsets(%arg10 : memref<4096xi32, #tpu.memory_space<vmem>>) semaphore(%arg16 : memref<!tpu.dma_semaphore, #tpu.memory_space<semaphore_mem>>)
    %scan3A_95 = arith.constant 0 : i32
    %scan3A_96 = arith.constant 0 : i32
    %scan3A_97 = arith.constant 12 : i32
    %scan3A_98 = arith.addi %scan3A_96, %scan3A_97 : i32
    %scan3A_99 = arith.constant 1 : i32
    scf.for %scan3A_150 = %scan3A_96 to %scan3A_98 step %scan3A_99  : i32 {
      %mul3A_151 = arith.constant 2 : i32
      %mul3A_152 = arith.muli %scan3A_150, %mul3A_151 : i32
      %dma_wait3A_153 = arith.constant 0 : i32
      %dma_wait3A_154 = tpu.memref_slice %arg2[%dma_wait3A_153] : memref<83200000xf32, #tpu.memory_space<hbm>> -> memref<83200000xf32, #tpu.memory_space<hbm>>
      tpu.wait_indirect_dma semaphore(%arg15 : memref<!tpu.dma_semaphore, #tpu.memory_space<semaphore_mem>>) src(%dma_wait3A_154 : memref<83200000xf32, #tpu.memory_space<hbm>>) dst(%arg11 : memref<4096xf32, #tpu.memory_space<vmem>>)
      %add3A_155 = arith.addi %mul3A_2, %mul3A_152 : i32
      "tpu.region"() ({
        %run_scoped3A_237 = tpu.sem_alloc : memref<!tpu.dma_semaphore, #tpu.memory_space<semaphore_mem>>
        %dma_start3A_238 = arith.constant 0 : i32
        %dma_start3A_239 = tpu.memref_slice %arg5[%add3A_155, %dma_start3A_238] : memref<832x4096xf32, #tpu.memory_space<hbm>> -> memref<1x4096xf32, #tpu.memory_space<hbm>>
        %dma_start3A_240 = tpu.memref_squeeze %dma_start3A_239 : memref<1x4096xf32, #tpu.memory_space<hbm>> -> memref<4096xf32, #tpu.memory_space<hbm>>
        %dma_start3A_241 = arith.constant 0 : i32
        %dma_start3A_242 = tpu.memref_slice %arg5[%add3A_155, %dma_start3A_241] : memref<832x4096xf32, #tpu.memory_space<hbm>> -> memref<1x4096xf32, #tpu.memory_space<hbm>>
        %dma_start3A_243 = tpu.memref_squeeze %dma_start3A_242 : memref<1x4096xf32, #tpu.memory_space<hbm>> -> memref<4096xf32, #tpu.memory_space<hbm>>
        tpu.enqueue_dma source(%arg11 : memref<4096xf32, #tpu.memory_space<vmem>>) target(%dma_start3A_243 : memref<4096xf32, #tpu.memory_space<hbm>>) target_semaphore(%run_scoped3A_237 : memref<!tpu.dma_semaphore, #tpu.memory_space<semaphore_mem>>)
        %dma_wait3A_244 = arith.constant 0 : i32
        %dma_wait3A_245 = tpu.memref_slice %arg5[%add3A_155, %dma_wait3A_244] : memref<832x4096xf32, #tpu.memory_space<hbm>> -> memref<1x4096xf32, #tpu.memory_space<hbm>>
        %dma_wait3A_246 = tpu.memref_squeeze %dma_wait3A_245 : memref<1x4096xf32, #tpu.memory_space<hbm>> -> memref<4096xf32, #tpu.memory_space<hbm>>
        %dma_wait3A_247 = arith.constant 0 : i32
        %dma_wait3A_248 = tpu.memref_slice %arg5[%add3A_155, %dma_wait3A_247] : memref<832x4096xf32, #tpu.memory_space<hbm>> -> memref<1x4096xf32, #tpu.memory_space<hbm>>
        %dma_wait3A_249 = tpu.memref_squeeze %dma_wait3A_248 : memref<1x4096xf32, #tpu.memory_space<hbm>> -> memref<4096xf32, #tpu.memory_space<hbm>>
        tpu.wait_dma2 semaphore(%run_scoped3A_237 : memref<!tpu.dma_semaphore, #tpu.memory_space<semaphore_mem>>) src(%arg11 : memref<4096xf32, #tpu.memory_space<vmem>>) dst(%dma_wait3A_249 : memref<4096xf32, #tpu.memory_space<hbm>>)
        tpu.yield
      }) : () -> ()
      %add3A_156 = arith.constant 2 : i32
      %add3A_157 = arith.addi %mul3A_152, %add3A_156 : i32
      %add3A_158 = arith.addi %mul3A_2, %add3A_157 : i32
      %jit3A_159 = arith.constant 32 : i32
      %div3A_160 = arith.divsi %add3A_158, %jit3A_159 : i32
      %sign3A_161 = arith.constant 0 : i32
      %sign3A_162 = arith.cmpi sgt, %add3A_158, %sign3A_161 : i32
      %sign3A_163 = arith.extui %sign3A_162 : i1 to i32
      %sign3A_164 = arith.constant 0 : i32
      %sign3A_165 = arith.cmpi slt, %add3A_158, %sign3A_164 : i32
      %sign3A_166 = arith.extui %sign3A_165 : i1 to i32
      %sign3A_167 = arith.subi %sign3A_163, %sign3A_166 : i32
      %sign3A_168 = arith.constant 0 : i32
      %sign3A_169 = arith.cmpi sgt, %jit3A_159, %sign3A_168 : i32
      %sign3A_170 = arith.extui %sign3A_169 : i1 to i32
      %sign3A_171 = arith.constant 0 : i32
      %sign3A_172 = arith.cmpi slt, %jit3A_159, %sign3A_171 : i32
      %sign3A_173 = arith.extui %sign3A_172 : i1 to i32
      %sign3A_174 = arith.subi %sign3A_170, %sign3A_173 : i32
      %ne3A_175 = arith.cmpi ne, %sign3A_167, %sign3A_174 : i32
      %rem3A_176 = arith.remsi %add3A_158, %jit3A_159 : i32
      %ne3A_177 = arith.constant 0 : i32
      %ne3A_178 = arith.cmpi ne, %rem3A_176, %ne3A_177 : i32
      %and3A_179 = arith.andi %ne3A_175, %ne3A_178 : i1
      %sub3A_180 = arith.constant 1 : i32
      %sub3A_181 = arith.subi %div3A_160, %sub3A_180 : i32
      %select_n3A_182 = arith.select %and3A_179, %sub3A_181, %div3A_160 : i32
      %sub3A_183 = arith.subi %select_n3A_182, %select_n3A : i32
      %mul3A_184 = arith.constant 100000 : i32
      %mul3A_185 = arith.muli %add3A_158, %mul3A_184 : i32
      %scan3A_186 = arith.constant 0 : i32
      %scan3A_187 = arith.constant 0 : i32
      %scan3A_188 = arith.constant 256 : i32
      %scan3A_189 = arith.addi %scan3A_187, %scan3A_188 : i32
      %scan3A_190 = arith.constant 1 : i32
      scf.for %scan3A_237 = %scan3A_187 to %scan3A_189 step %scan3A_190  : i32 {
        %mul3A_238 = arith.constant 16 : i32
        %mul3A_239 = arith.muli %scan3A_237, %mul3A_238 : i32
        %get3A = arith.index_cast %sub3A_183 : i32 to index
        %get3A_240 = arith.index_cast %mul3A_239 : i32 to index
        %get3A_241 = tpu.vector_load %arg7[%get3A, %get3A_240] {strides = array<i32>} : memref<2x4096xi32, #tpu.memory_space<vmem>>, vector<1x16xi32>,
        %get3A_242 = vector.shape_cast %get3A_241 : vector<1x16xi32> to vector<16xi32>
        %add3A_243 = vector.broadcast %mul3A_185 : i32 to vector<16xi32>
        %add3A_244 = arith.addi %get3A_242, %add3A_243 : vector<16xi32>
        %mul3A_245 = arith.constant 16 : i32
        %mul3A_246 = arith.muli %scan3A_237, %mul3A_245 : i32
        %swap3A_247 = arith.index_cast %mul3A_246 : i32 to index
        %swap3A_248 = tpu.vector_load %arg9[%swap3A_247] {strides = array<i32>} : memref<4096xi32, #tpu.memory_space<vmem>>, vector<16xi32>,
        %swap3A_249 = vector.shape_cast %swap3A_248 : vector<16xi32> to vector<16xi32>
        %swap3A_250 = vector.shape_cast %add3A_244 : vector<16xi32> to vector<16xi32>
        tpu.vector_store %arg9[%swap3A_247], %swap3A_250 {strides = array<i32>} : memref<4096xi32, #tpu.memory_space<vmem>>, vector<16xi32>,
      }
      %scan3A_191 = arith.constant 256 : i32
      %dma_start3A_192 = arith.constant 0 : i32
      %dma_start3A_193 = tpu.memref_slice %arg2[%dma_start3A_192] : memref<83200000xf32, #tpu.memory_space<hbm>> -> memref<83200000xf32, #tpu.memory_space<hbm>>
      tpu.enqueue_indirect_dma source(%dma_start3A_193 : memref<83200000xf32, #tpu.memory_space<hbm>>) target(%arg11 : memref<4096xf32, #tpu.memory_space<vmem>>) offsets(%arg9 : memref<4096xi32, #tpu.memory_space<vmem>>) semaphore(%arg15 : memref<!tpu.dma_semaphore, #tpu.memory_space<semaphore_mem>>)
      %add3A_194 = arith.constant 1 : i32
      %add3A_195 = arith.addi %mul3A_152, %add3A_194 : i32
      %dma_wait3A_196 = arith.constant 0 : i32
      %dma_wait3A_197 = tpu.memref_slice %arg2[%dma_wait3A_196] : memref<83200000xf32, #tpu.memory_space<hbm>> -> memref<83200000xf32, #tpu.memory_space<hbm>>
      tpu.wait_indirect_dma semaphore(%arg16 : memref<!tpu.dma_semaphore, #tpu.memory_space<semaphore_mem>>) src(%dma_wait3A_197 : memref<83200000xf32, #tpu.memory_space<hbm>>) dst(%arg12 : memref<4096xf32, #tpu.memory_space<vmem>>)
      %add3A_198 = arith.addi %mul3A_2, %add3A_195 : i32
      "tpu.region"() ({
        %run_scoped3A_237 = tpu.sem_alloc : memref<!tpu.dma_semaphore, #tpu.memory_space<semaphore_mem>>
        %dma_start3A_238 = arith.constant 0 : i32
        %dma_start3A_239 = tpu.memref_slice %arg5[%add3A_198, %dma_start3A_238] : memref<832x4096xf32, #tpu.memory_space<hbm>> -> memref<1x4096xf32, #tpu.memory_space<hbm>>
        %dma_start3A_240 = tpu.memref_squeeze %dma_start3A_239 : memref<1x4096xf32, #tpu.memory_space<hbm>> -> memref<4096xf32, #tpu.memory_space<hbm>>
        %dma_start3A_241 = arith.constant 0 : i32
        %dma_start3A_242 = tpu.memref_slice %arg5[%add3A_198, %dma_start3A_241] : memref<832x4096xf32, #tpu.memory_space<hbm>> -> memref<1x4096xf32, #tpu.memory_space<hbm>>
        %dma_start3A_243 = tpu.memref_squeeze %dma_start3A_242 : memref<1x4096xf32, #tpu.memory_space<hbm>> -> memref<4096xf32, #tpu.memory_space<hbm>>
        tpu.enqueue_dma source(%arg12 : memref<4096xf32, #tpu.memory_space<vmem>>) target(%dma_start3A_243 : memref<4096xf32, #tpu.memory_space<hbm>>) target_semaphore(%run_scoped3A_237 : memref<!tpu.dma_semaphore, #tpu.memory_space<semaphore_mem>>)
        %dma_wait3A_244 = arith.constant 0 : i32
        %dma_wait3A_245 = tpu.memref_slice %arg5[%add3A_198, %dma_wait3A_244] : memref<832x4096xf32, #tpu.memory_space<hbm>> -> memref<1x4096xf32, #tpu.memory_space<hbm>>
        %dma_wait3A_246 = tpu.memref_squeeze %dma_wait3A_245 : memref<1x4096xf32, #tpu.memory_space<hbm>> -> memref<4096xf32, #tpu.memory_space<hbm>>
        %dma_wait3A_247 = arith.constant 0 : i32
        %dma_wait3A_248 = tpu.memref_slice %arg5[%add3A_198, %dma_wait3A_247] : memref<832x4096xf32, #tpu.memory_space<hbm>> -> memref<1x4096xf32, #tpu.memory_space<hbm>>
        %dma_wait3A_249 = tpu.memref_squeeze %dma_wait3A_248 : memref<1x4096xf32, #tpu.memory_space<hbm>> -> memref<4096xf32, #tpu.memory_space<hbm>>
        tpu.wait_dma2 semaphore(%run_scoped3A_237 : memref<!tpu.dma_semaphore, #tpu.memory_space<semaphore_mem>>) src(%arg12 : memref<4096xf32, #tpu.memory_space<vmem>>) dst(%dma_wait3A_249 : memref<4096xf32, #tpu.memory_space<hbm>>)
        tpu.yield
      }) : () -> ()
      %add3A_199 = arith.constant 3 : i32
      %add3A_200 = arith.addi %mul3A_152, %add3A_199 : i32
      %add3A_201 = arith.addi %mul3A_2, %add3A_200 : i32
      %jit3A_202 = arith.constant 32 : i32
      %div3A_203 = arith.divsi %add3A_201, %jit3A_202 : i32
      %sign3A_204 = arith.constant 0 : i32
      %sign3A_205 = arith.cmpi sgt, %add3A_201, %sign3A_204 : i32
      %sign3A_206 = arith.extui %sign3A_205 : i1 to i32
      %sign3A_207 = arith.constant 0 : i32
      %sign3A_208 = arith.cmpi slt, %add3A_201, %sign3A_207 : i32
      %sign3A_209 = arith.extui %sign3A_208 : i1 to i32
      %sign3A_210 = arith.subi %sign3A_206, %sign3A_209 : i32
      %sign3A_211 = arith.constant 0 : i32
      %sign3A_212 = arith.cmpi sgt, %jit3A_202, %sign3A_211 : i32
      %sign3A_213 = arith.extui %sign3A_212 : i1 to i32
      %sign3A_214 = arith.constant 0 : i32
      %sign3A_215 = arith.cmpi slt, %jit3A_202, %sign3A_214 : i32
      %sign3A_216 = arith.extui %sign3A_215 : i1 to i32
      %sign3A_217 = arith.subi %sign3A_213, %sign3A_216 : i32
      %ne3A_218 = arith.cmpi ne, %sign3A_210, %sign3A_217 : i32
      %rem3A_219 = arith.remsi %add3A_201, %jit3A_202 : i32
      %ne3A_220 = arith.constant 0 : i32
      %ne3A_221 = arith.cmpi ne, %rem3A_219, %ne3A_220 : i32
      %and3A_222 = arith.andi %ne3A_218, %ne3A_221 : i1
      %sub3A_223 = arith.constant 1 : i32
      %sub3A_224 = arith.subi %div3A_203, %sub3A_223 : i32
      %select_n3A_225 = arith.select %and3A_222, %sub3A_224, %div3A_203 : i32
      %sub3A_226 = arith.subi %select_n3A_225, %select_n3A : i32
      %mul3A_227 = arith.constant 100000 : i32
      %mul3A_228 = arith.muli %add3A_201, %mul3A_227 : i32
      %scan3A_229 = arith.constant 0 : i32
      %scan3A_230 = arith.constant 0 : i32
      %scan3A_231 = arith.constant 256 : i32
      %scan3A_232 = arith.addi %scan3A_230, %scan3A_231 : i32
      %scan3A_233 = arith.constant 1 : i32
      scf.for %scan3A_237 = %scan3A_230 to %scan3A_232 step %scan3A_233  : i32 {
        %mul3A_238 = arith.constant 16 : i32
        %mul3A_239 = arith.muli %scan3A_237, %mul3A_238 : i32
        %get3A = arith.index_cast %sub3A_226 : i32 to index
        %get3A_240 = arith.index_cast %mul3A_239 : i32 to index
        %get3A_241 = tpu.vector_load %arg7[%get3A, %get3A_240] {strides = array<i32>} : memref<2x4096xi32, #tpu.memory_space<vmem>>, vector<1x16xi32>,
        %get3A_242 = vector.shape_cast %get3A_241 : vector<1x16xi32> to vector<16xi32>
        %add3A_243 = vector.broadcast %mul3A_228 : i32 to vector<16xi32>
        %add3A_244 = arith.addi %get3A_242, %add3A_243 : vector<16xi32>
        %mul3A_245 = arith.constant 16 : i32
        %mul3A_246 = arith.muli %scan3A_237, %mul3A_245 : i32
        %swap3A_247 = arith.index_cast %mul3A_246 : i32 to index
        %swap3A_248 = tpu.vector_load %arg10[%swap3A_247] {strides = array<i32>} : memref<4096xi32, #tpu.memory_space<vmem>>, vector<16xi32>,
        %swap3A_249 = vector.shape_cast %swap3A_248 : vector<16xi32> to vector<16xi32>
        %swap3A_250 = vector.shape_cast %add3A_244 : vector<16xi32> to vector<16xi32>
        tpu.vector_store %arg10[%swap3A_247], %swap3A_250 {strides = array<i32>} : memref<4096xi32, #tpu.memory_space<vmem>>, vector<16xi32>,
      }
      %scan3A_234 = arith.constant 256 : i32
      %dma_start3A_235 = arith.constant 0 : i32
      %dma_start3A_236 = tpu.memref_slice %arg2[%dma_start3A_235] : memref<83200000xf32, #tpu.memory_space<hbm>> -> memref<83200000xf32, #tpu.memory_space<hbm>>
      tpu.enqueue_indirect_dma source(%dma_start3A_236 : memref<83200000xf32, #tpu.memory_space<hbm>>) target(%arg12 : memref<4096xf32, #tpu.memory_space<vmem>>) offsets(%arg10 : memref<4096xi32, #tpu.memory_space<vmem>>) semaphore(%arg16 : memref<!tpu.dma_semaphore, #tpu.memory_space<semaphore_mem>>)
    }
    %scan3A_100 = arith.constant 12 : i32
    %dma_wait3A = arith.constant 0 : i32
    %dma_wait3A_101 = tpu.memref_slice %arg2[%dma_wait3A] : memref<83200000xf32, #tpu.memory_space<hbm>> -> memref<83200000xf32, #tpu.memory_space<hbm>>
    tpu.wait_indirect_dma semaphore(%arg15 : memref<!tpu.dma_semaphore, #tpu.memory_space<semaphore_mem>>) src(%dma_wait3A_101 : memref<83200000xf32, #tpu.memory_space<hbm>>) dst(%arg11 : memref<4096xf32, #tpu.memory_space<vmem>>)
    %add3A_102 = arith.constant 24 : i32
    %add3A_103 = arith.addi %mul3A_2, %add3A_102 : i32
    "tpu.region"() ({
      %run_scoped3A_150 = tpu.sem_alloc : memref<!tpu.dma_semaphore, #tpu.memory_space<semaphore_mem>>
      %dma_start3A_151 = arith.constant 0 : i32
      %dma_start3A_152 = tpu.memref_slice %arg5[%add3A_103, %dma_start3A_151] : memref<832x4096xf32, #tpu.memory_space<hbm>> -> memref<1x4096xf32, #tpu.memory_space<hbm>>
      %dma_start3A_153 = tpu.memref_squeeze %dma_start3A_152 : memref<1x4096xf32, #tpu.memory_space<hbm>> -> memref<4096xf32, #tpu.memory_space<hbm>>
      %dma_start3A_154 = arith.constant 0 : i32
      %dma_start3A_155 = tpu.memref_slice %arg5[%add3A_103, %dma_start3A_154] : memref<832x4096xf32, #tpu.memory_space<hbm>> -> memref<1x4096xf32, #tpu.memory_space<hbm>>
      %dma_start3A_156 = tpu.memref_squeeze %dma_start3A_155 : memref<1x4096xf32, #tpu.memory_space<hbm>> -> memref<4096xf32, #tpu.memory_space<hbm>>
      tpu.enqueue_dma source(%arg11 : memref<4096xf32, #tpu.memory_space<vmem>>) target(%dma_start3A_156 : memref<4096xf32, #tpu.memory_space<hbm>>) target_semaphore(%run_scoped3A_150 : memref<!tpu.dma_semaphore, #tpu.memory_space<semaphore_mem>>)
      %dma_wait3A_157 = arith.constant 0 : i32
      %dma_wait3A_158 = tpu.memref_slice %arg5[%add3A_103, %dma_wait3A_157] : memref<832x4096xf32, #tpu.memory_space<hbm>> -> memref<1x4096xf32, #tpu.memory_space<hbm>>
      %dma_wait3A_159 = tpu.memref_squeeze %dma_wait3A_158 : memref<1x4096xf32, #tpu.memory_space<hbm>> -> memref<4096xf32, #tpu.memory_space<hbm>>
      %dma_wait3A_160 = arith.constant 0 : i32
      %dma_wait3A_161 = tpu.memref_slice %arg5[%add3A_103, %dma_wait3A_160] : memref<832x4096xf32, #tpu.memory_space<hbm>> -> memref<1x4096xf32, #tpu.memory_space<hbm>>
      %dma_wait3A_162 = tpu.memref_squeeze %dma_wait3A_161 : memref<1x4096xf32, #tpu.memory_space<hbm>> -> memref<4096xf32, #tpu.memory_space<hbm>>
      tpu.wait_dma2 semaphore(%run_scoped3A_150 : memref<!tpu.dma_semaphore, #tpu.memory_space<semaphore_mem>>) src(%arg11 : memref<4096xf32, #tpu.memory_space<vmem>>) dst(%dma_wait3A_162 : memref<4096xf32, #tpu.memory_space<hbm>>)
      tpu.yield
    }) : () -> ()
    %dma_wait3A_104 = arith.constant 0 : i32
    %dma_wait3A_105 = tpu.memref_slice %arg2[%dma_wait3A_104] : memref<83200000xf32, #tpu.memory_space<hbm>> -> memref<83200000xf32, #tpu.memory_space<hbm>>
    tpu.wait_indirect_dma semaphore(%arg16 : memref<!tpu.dma_semaphore, #tpu.memory_space<semaphore_mem>>) src(%dma_wait3A_105 : memref<83200000xf32, #tpu.memory_space<hbm>>) dst(%arg12 : memref<4096xf32, #tpu.memory_space<vmem>>)
    %add3A_106 = arith.constant 25 : i32
    %add3A_107 = arith.addi %mul3A_2, %add3A_106 : i32
    "tpu.region"() ({
      %run_scoped3A_150 = tpu.sem_alloc : memref<!tpu.dma_semaphore, #tpu.memory_space<semaphore_mem>>
      %dma_start3A_151 = arith.constant 0 : i32
      %dma_start3A_152 = tpu.memref_slice %arg5[%add3A_107, %dma_start3A_151] : memref<832x4096xf32, #tpu.memory_space<hbm>> -> memref<1x4096xf32, #tpu.memory_space<hbm>>
      %dma_start3A_153 = tpu.memref_squeeze %dma_start3A_152 : memref<1x4096xf32, #tpu.memory_space<hbm>> -> memref<4096xf32, #tpu.memory_space<hbm>>
      %dma_start3A_154 = arith.constant 0 : i32
      %dma_start3A_155 = tpu.memref_slice %arg5[%add3A_107, %dma_start3A_154] : memref<832x4096xf32, #tpu.memory_space<hbm>> -> memref<1x4096xf32, #tpu.memory_space<hbm>>
      %dma_start3A_156 = tpu.memref_squeeze %dma_start3A_155 : memref<1x4096xf32, #tpu.memory_space<hbm>> -> memref<4096xf32, #tpu.memory_space<hbm>>
      tpu.enqueue_dma source(%arg12 : memref<4096xf32, #tpu.memory_space<vmem>>) target(%dma_start3A_156 : memref<4096xf32, #tpu.memory_space<hbm>>) target_semaphore(%run_scoped3A_150 : memref<!tpu.dma_semaphore, #tpu.memory_space<semaphore_mem>>)
      %dma_wait3A_157 = arith.constant 0 : i32
      %dma_wait3A_158 = tpu.memref_slice %arg5[%add3A_107, %dma_wait3A_157] : memref<832x4096xf32, #tpu.memory_space<hbm>> -> memref<1x4096xf32, #tpu.memory_space<hbm>>
      %dma_wait3A_159 = tpu.memref_squeeze %dma_wait3A_158 : memref<1x4096xf32, #tpu.memory_space<hbm>> -> memref<4096xf32, #tpu.memory_space<hbm>>
      %dma_wait3A_160 = arith.constant 0 : i32
      %dma_wait3A_161 = tpu.memref_slice %arg5[%add3A_107, %dma_wait3A_160] : memref<832x4096xf32, #tpu.memory_space<hbm>> -> memref<1x4096xf32, #tpu.memory_space<hbm>>
      %dma_wait3A_162 = tpu.memref_squeeze %dma_wait3A_161 : memref<1x4096xf32, #tpu.memory_space<hbm>> -> memref<4096xf32, #tpu.memory_space<hbm>>
      tpu.wait_dma2 semaphore(%run_scoped3A_150 : memref<!tpu.dma_semaphore, #tpu.memory_space<semaphore_mem>>) src(%arg12 : memref<4096xf32, #tpu.memory_space<vmem>>) dst(%dma_wait3A_162 : memref<4096xf32, #tpu.memory_space<hbm>>)
      tpu.yield
    }) : () -> ()
    %mul3A_108 = arith.constant 128 : i32
    %mul3A_109 = arith.muli %add3A, %mul3A_108 : i32
    "tpu.region"() ({
      %run_scoped3A_150 = tpu.sem_alloc : memref<!tpu.dma_semaphore, #tpu.memory_space<semaphore_mem>>
      %dma_start3A_151 = arith.constant 0 : i32
      %dma_start3A_152 = tpu.memref_slice %arg4[%dma_start3A_151, %mul3A_109] : memref<26x4096xi32, #tpu.memory_space<hbm>> -> memref<26x128xi32, #tpu.memory_space<hbm>>
      %dma_start3A_153 = arith.constant 0 : i32
      %dma_start3A_154 = tpu.memref_slice %arg4[%dma_start3A_153, %mul3A_109] : memref<26x4096xi32, #tpu.memory_space<hbm>> -> memref<26x128xi32, #tpu.memory_space<hbm>>
      tpu.enqueue_dma source(%dma_start3A_154 : memref<26x128xi32, #tpu.memory_space<hbm>>) target(%arg8 : memref<26x128xi32, #tpu.memory_space<vmem>>) target_semaphore(%run_scoped3A_150 : memref<!tpu.dma_semaphore, #tpu.memory_space<semaphore_mem>>)
      %dma_wait3A_155 = arith.constant 0 : i32
      %dma_wait3A_156 = tpu.memref_slice %arg4[%dma_wait3A_155, %mul3A_109] : memref<26x4096xi32, #tpu.memory_space<hbm>> -> memref<26x128xi32, #tpu.memory_space<hbm>>
      %dma_wait3A_157 = arith.constant 0 : i32
      %dma_wait3A_158 = tpu.memref_slice %arg4[%dma_wait3A_157, %mul3A_109] : memref<26x4096xi32, #tpu.memory_space<hbm>> -> memref<26x128xi32, #tpu.memory_space<hbm>>
      tpu.wait_dma2 semaphore(%run_scoped3A_150 : memref<!tpu.dma_semaphore, #tpu.memory_space<semaphore_mem>>) src(%dma_wait3A_158 : memref<26x128xi32, #tpu.memory_space<hbm>>) dst(%arg8 : memref<26x128xi32, #tpu.memory_space<vmem>>)
      tpu.yield
    }) : () -> ()
    %broadcast_in_dim3A = arith.constant 0.000000e+00 : f32
    %broadcast_in_dim3A_110 = vector.broadcast %broadcast_in_dim3A : f32 to vector<16xf32>
    %swap3A = arith.constant 0 : index
    %swap3A_111 = tpu.vector_load %arg13[%swap3A] {strides = array<i32>} : memref<128xf32, #tpu.memory_space<vmem>>, vector<16xf32>,
    %swap3A_112 = vector.shape_cast %swap3A_111 : vector<16xf32> to vector<16xf32>
    %swap3A_113 = vector.shape_cast %broadcast_in_dim3A_110 : vector<16xf32> to vector<16xf32>
    tpu.vector_store %arg13[%swap3A], %swap3A_113 {strides = array<i32>} : memref<128xf32, #tpu.memory_space<vmem>>, vector<16xf32>,
    %swap3A_114 = arith.constant 16 : index
    %swap3A_115 = tpu.vector_load %arg13[%swap3A_114] {strides = array<i32>} : memref<128xf32, #tpu.memory_space<vmem>>, vector<16xf32>,
    %swap3A_116 = vector.shape_cast %swap3A_115 : vector<16xf32> to vector<16xf32>
    %swap3A_117 = vector.shape_cast %broadcast_in_dim3A_110 : vector<16xf32> to vector<16xf32>
    tpu.vector_store %arg13[%swap3A_114], %swap3A_117 {strides = array<i32>} : memref<128xf32, #tpu.memory_space<vmem>>, vector<16xf32>,
    %swap3A_118 = arith.constant 32 : index
    %swap3A_119 = tpu.vector_load %arg13[%swap3A_118] {strides = array<i32>} : memref<128xf32, #tpu.memory_space<vmem>>, vector<16xf32>,
    %swap3A_120 = vector.shape_cast %swap3A_119 : vector<16xf32> to vector<16xf32>
    %swap3A_121 = vector.shape_cast %broadcast_in_dim3A_110 : vector<16xf32> to vector<16xf32>
    tpu.vector_store %arg13[%swap3A_118], %swap3A_121 {strides = array<i32>} : memref<128xf32, #tpu.memory_space<vmem>>, vector<16xf32>,
    %swap3A_122 = arith.constant 48 : index
    %swap3A_123 = tpu.vector_load %arg13[%swap3A_122] {strides = array<i32>} : memref<128xf32, #tpu.memory_space<vmem>>, vector<16xf32>,
    %swap3A_124 = vector.shape_cast %swap3A_123 : vector<16xf32> to vector<16xf32>
    %swap3A_125 = vector.shape_cast %broadcast_in_dim3A_110 : vector<16xf32> to vector<16xf32>
    tpu.vector_store %arg13[%swap3A_122], %swap3A_125 {strides = array<i32>} : memref<128xf32, #tpu.memory_space<vmem>>, vector<16xf32>,
    %swap3A_126 = arith.constant 64 : index
    %swap3A_127 = tpu.vector_load %arg13[%swap3A_126] {strides = array<i32>} : memref<128xf32, #tpu.memory_space<vmem>>, vector<16xf32>,
    %swap3A_128 = vector.shape_cast %swap3A_127 : vector<16xf32> to vector<16xf32>
    %swap3A_129 = vector.shape_cast %broadcast_in_dim3A_110 : vector<16xf32> to vector<16xf32>
    tpu.vector_store %arg13[%swap3A_126], %swap3A_129 {strides = array<i32>} : memref<128xf32, #tpu.memory_space<vmem>>, vector<16xf32>,
    %swap3A_130 = arith.constant 80 : index
    %swap3A_131 = tpu.vector_load %arg13[%swap3A_130] {strides = array<i32>} : memref<128xf32, #tpu.memory_space<vmem>>, vector<16xf32>,
    %swap3A_132 = vector.shape_cast %swap3A_131 : vector<16xf32> to vector<16xf32>
    %swap3A_133 = vector.shape_cast %broadcast_in_dim3A_110 : vector<16xf32> to vector<16xf32>
    tpu.vector_store %arg13[%swap3A_130], %swap3A_133 {strides = array<i32>} : memref<128xf32, #tpu.memory_space<vmem>>, vector<16xf32>,
    %swap3A_134 = arith.constant 96 : index
    %swap3A_135 = tpu.vector_load %arg13[%swap3A_134] {strides = array<i32>} : memref<128xf32, #tpu.memory_space<vmem>>, vector<16xf32>,
    %swap3A_136 = vector.shape_cast %swap3A_135 : vector<16xf32> to vector<16xf32>
    %swap3A_137 = vector.shape_cast %broadcast_in_dim3A_110 : vector<16xf32> to vector<16xf32>
    tpu.vector_store %arg13[%swap3A_134], %swap3A_137 {strides = array<i32>} : memref<128xf32, #tpu.memory_space<vmem>>, vector<16xf32>,
    %swap3A_138 = arith.constant 112 : index
    %swap3A_139 = tpu.vector_load %arg13[%swap3A_138] {strides = array<i32>} : memref<128xf32, #tpu.memory_space<vmem>>, vector<16xf32>,
    %swap3A_140 = vector.shape_cast %swap3A_139 : vector<16xf32> to vector<16xf32>
    %swap3A_141 = vector.shape_cast %broadcast_in_dim3A_110 : vector<16xf32> to vector<16xf32>
    tpu.vector_store %arg13[%swap3A_138], %swap3A_141 {strides = array<i32>} : memref<128xf32, #tpu.memory_space<vmem>>, vector<16xf32>,
    %scan3A_142 = arith.constant 0 : i32
    %scan3A_143 = arith.constant 0 : i32
    %scan3A_144 = arith.constant 26 : i32
    %scan3A_145 = arith.addi %scan3A_143, %scan3A_144 : i32
    %scan3A_146 = arith.constant 1 : i32
    scf.for %scan3A_150 = %scan3A_143 to %scan3A_145 step %scan3A_146  : i32 {
      %dma_start3A_151 = arith.constant 0 : i32
      %dma_start3A_152 = tpu.memref_slice %arg8[%scan3A_150, %dma_start3A_151] : memref<26x128xi32, #tpu.memory_space<vmem>> -> memref<1x128xi32, #tpu.memory_space<vmem>>
      %dma_start3A_153 = tpu.memref_squeeze %dma_start3A_152 : memref<1x128xi32, #tpu.memory_space<vmem>> -> memref<128xi32, #tpu.memory_space<vmem>>
      %dma_start3A_154 = arith.constant 0 : i32
      %dma_start3A_155 = tpu.memref_slice %arg3[%dma_start3A_154] : memref<2600000xf32, #tpu.memory_space<hbm>> -> memref<2600000xf32, #tpu.memory_space<hbm>>
      tpu.enqueue_indirect_dma source(%dma_start3A_155 : memref<2600000xf32, #tpu.memory_space<hbm>>) target(%arg14 : memref<128xf32, #tpu.memory_space<vmem>>) offsets(%dma_start3A_153 : memref<128xi32, #tpu.memory_space<vmem>>) semaphore(%arg17 : memref<!tpu.dma_semaphore, #tpu.memory_space<semaphore_mem>>)
      %dma_wait3A_156 = arith.constant 0 : i32
      %dma_wait3A_157 = tpu.memref_slice %arg8[%scan3A_150, %dma_wait3A_156] : memref<26x128xi32, #tpu.memory_space<vmem>> -> memref<1x128xi32, #tpu.memory_space<vmem>>
      %dma_wait3A_158 = tpu.memref_squeeze %dma_wait3A_157 : memref<1x128xi32, #tpu.memory_space<vmem>> -> memref<128xi32, #tpu.memory_space<vmem>>
      %dma_wait3A_159 = arith.constant 0 : i32
      %dma_wait3A_160 = tpu.memref_slice %arg3[%dma_wait3A_159] : memref<2600000xf32, #tpu.memory_space<hbm>> -> memref<2600000xf32, #tpu.memory_space<hbm>>
      tpu.wait_indirect_dma semaphore(%arg17 : memref<!tpu.dma_semaphore, #tpu.memory_space<semaphore_mem>>) src(%dma_wait3A_160 : memref<2600000xf32, #tpu.memory_space<hbm>>) dst(%arg14 : memref<128xf32, #tpu.memory_space<vmem>>)
      %scan3A_161 = arith.constant 0 : i32
      %scan3A_162 = arith.constant 0 : i32
      %scan3A_163 = arith.constant 8 : i32
      %scan3A_164 = arith.addi %scan3A_162, %scan3A_163 : i32
      %scan3A_165 = arith.constant 1 : i32
      scf.for %scan3A_167 = %scan3A_162 to %scan3A_164 step %scan3A_165  : i32 {
        %mul3A_168 = arith.constant 16 : i32
        %mul3A_169 = arith.muli %scan3A_167, %mul3A_168 : i32
        %get3A = arith.index_cast %mul3A_169 : i32 to index
        %get3A_170 = tpu.vector_load %arg13[%get3A] {strides = array<i32>} : memref<128xf32, #tpu.memory_space<vmem>>, vector<16xf32>,
        %get3A_171 = vector.shape_cast %get3A_170 : vector<16xf32> to vector<16xf32>
        %get3A_172 = arith.index_cast %mul3A_169 : i32 to index
        %get3A_173 = tpu.vector_load %arg14[%get3A_172] {strides = array<i32>} : memref<128xf32, #tpu.memory_space<vmem>>, vector<16xf32>,
        %get3A_174 = vector.shape_cast %get3A_173 : vector<16xf32> to vector<16xf32>
        %add3A_175 = arith.addf %get3A_171, %get3A_174 : vector<16xf32>
        %swap3A_176 = arith.index_cast %mul3A_169 : i32 to index
        %swap3A_177 = tpu.vector_load %arg13[%swap3A_176] {strides = array<i32>} : memref<128xf32, #tpu.memory_space<vmem>>, vector<16xf32>,
        %swap3A_178 = vector.shape_cast %swap3A_177 : vector<16xf32> to vector<16xf32>
        %swap3A_179 = vector.shape_cast %add3A_175 : vector<16xf32> to vector<16xf32>
        tpu.vector_store %arg13[%swap3A_176], %swap3A_179 {strides = array<i32>} : memref<128xf32, #tpu.memory_space<vmem>>, vector<16xf32>,
      }
      %scan3A_166 = arith.constant 8 : i32
    }
    %scan3A_147 = arith.constant 26 : i32
    %mul3A_148 = arith.constant 128 : i32
    %mul3A_149 = arith.muli %add3A, %mul3A_148 : i32
    "tpu.region"() ({
      %run_scoped3A_150 = tpu.sem_alloc : memref<!tpu.dma_semaphore, #tpu.memory_space<semaphore_mem>>
      %dma_start3A_151 = tpu.memref_slice %arg6[%mul3A_149] : memref<4096xf32, #tpu.memory_space<hbm>> -> memref<128xf32, #tpu.memory_space<hbm>>
      %dma_start3A_152 = tpu.memref_slice %arg6[%mul3A_149] : memref<4096xf32, #tpu.memory_space<hbm>> -> memref<128xf32, #tpu.memory_space<hbm>>
      tpu.enqueue_dma source(%arg13 : memref<128xf32, #tpu.memory_space<vmem>>) target(%dma_start3A_152 : memref<128xf32, #tpu.memory_space<hbm>>) target_semaphore(%run_scoped3A_150 : memref<!tpu.dma_semaphore, #tpu.memory_space<semaphore_mem>>)
      %dma_wait3A_153 = tpu.memref_slice %arg6[%mul3A_149] : memref<4096xf32, #tpu.memory_space<hbm>> -> memref<128xf32, #tpu.memory_space<hbm>>
      %dma_wait3A_154 = tpu.memref_slice %arg6[%mul3A_149] : memref<4096xf32, #tpu.memory_space<hbm>> -> memref<128xf32, #tpu.memory_space<hbm>>
      tpu.wait_dma2 semaphore(%run_scoped3A_150 : memref<!tpu.dma_semaphore, #tpu.memory_space<semaphore_mem>>) src(%arg13 : memref<128xf32, #tpu.memory_space<vmem>>) dst(%dma_wait3A_154 : memref<128xf32, #tpu.memory_space<hbm>>)
      tpu.yield
    }) : () -> ()
    return
  }
}

module attributes {stable_mosaic.version = 14 : i64} {
  func.func @_mlp_body(%arg0: i32, %arg1: memref<512x13xf32, #tpu.memory_space<vmem>>, %arg2: memref<832x512xf32, #tpu.memory_space<vmem>>, %arg3: memref<512x1xf32, #tpu.memory_space<vmem>>, %arg4: memref<13x32xf32, #tpu.memory_space<vmem>>, %arg5: memref<1x32xf32, #tpu.memory_space<vmem>>, %arg6: memref<864x512xf32, #tpu.memory_space<vmem>>, %arg7: memref<1x512xf32, #tpu.memory_space<vmem>>, %arg8: memref<512x256xf32, #tpu.memory_space<vmem>>, %arg9: memref<1x256xf32, #tpu.memory_space<vmem>>, %arg10: memref<256x128xf32, #tpu.memory_space<vmem>>, %arg11: memref<1x128xf32, #tpu.memory_space<vmem>>, %arg12: memref<512x129xf32, #tpu.memory_space<vmem>>) attributes {dimension_semantics = [#tpu.dimension_semantics<arbitrary>], iteration_bounds = array<i64: 8>, scalar_prefetch = 0 : i64, scratch_operands = 0 : i64, tpu.core_type = #tpu.core_type<tc>, window_params = [{transform_indices = @transform_0, window_bounds = array<i64: 512, 13>}, {transform_indices = @transform_1, window_bounds = array<i64: 832, 512>}, {transform_indices = @transform_2, window_bounds = array<i64: 512, 1>}, {pipeline_mode = #tpu.pipeline_mode<synchronous>, transform_indices = @transform_3, window_bounds = array<i64: 13, 32>}, {pipeline_mode = #tpu.pipeline_mode<synchronous>, transform_indices = @transform_4, window_bounds = array<i64: 1, 32>}, {pipeline_mode = #tpu.pipeline_mode<synchronous>, transform_indices = @transform_5, window_bounds = array<i64: 864, 512>}, {pipeline_mode = #tpu.pipeline_mode<synchronous>, transform_indices = @transform_6, window_bounds = array<i64: 1, 512>}, {pipeline_mode = #tpu.pipeline_mode<synchronous>, transform_indices = @transform_7, window_bounds = array<i64: 512, 256>}, {pipeline_mode = #tpu.pipeline_mode<synchronous>, transform_indices = @transform_8, window_bounds = array<i64: 1, 256>}, {pipeline_mode = #tpu.pipeline_mode<synchronous>, transform_indices = @transform_9, window_bounds = array<i64: 256, 128>}, {pipeline_mode = #tpu.pipeline_mode<synchronous>, transform_indices = @transform_10, window_bounds = array<i64: 1, 128>}, {transform_indices = @transform_11, window_bounds = array<i64: 512, 129>}]} {
    %get3A = arith.constant 0 : index
    %get3A_0 = arith.constant 0 : index
    %get3A_1 = vector.load %arg1[%get3A, %get3A_0] : memref<512x13xf32, #tpu.memory_space<vmem>>, vector<512x13xf32>
    %get3A_2 = arith.constant 0 : index
    %get3A_3 = arith.constant 0 : index
    %get3A_4 = vector.load %arg4[%get3A_2, %get3A_3] : memref<13x32xf32, #tpu.memory_space<vmem>>, vector<13x32xf32>
    %dot_general3A = arith.constant dense<0.000000e+00> : vector<512x32xf32>
    %dot_general3A_5 = tpu.matmul %get3A_1, %get3A_4, %dot_general3A {dimension_numbers = #tpu.dot_dimension_numbers<[1], [0], [0], [1], [0, 0, 1, 1], [], []>, transpose_lhs_hint = false} : vector<512x13xf32>, vector<13x32xf32>, vector<512x32xf32> -> vector<512x32xf32>
    %get3A_6 = arith.constant 0 : index
    %get3A_7 = arith.constant 0 : index
    %get3A_8 = vector.load %arg5[%get3A_6, %get3A_7] : memref<1x32xf32, #tpu.memory_space<vmem>>, vector<1x32xf32>
    %add3A = vector.broadcast %get3A_8 : vector<1x32xf32> to vector<512x32xf32>
    %add3A_9 = arith.addf %dot_general3A_5, %add3A : vector<512x32xf32>
    %get3A_10 = arith.constant 0 : index
    %get3A_11 = arith.constant 0 : index
    %get3A_12 = vector.load %arg6[%get3A_10, %get3A_11] : memref<864x512xf32, #tpu.memory_space<vmem>>, vector<32x512xf32>
    %dot_general3A_13 = arith.constant dense<0.000000e+00> : vector<512x512xf32>
    %dot_general3A_14 = tpu.matmul %add3A_9, %get3A_12, %dot_general3A_13 {dimension_numbers = #tpu.dot_dimension_numbers<[1], [0], [0], [1], [0, 0, 1, 1], [], []>, transpose_lhs_hint = false} : vector<512x32xf32>, vector<32x512xf32>, vector<512x512xf32> -> vector<512x512xf32>
    %get3A_15 = arith.constant 0 : index
    %get3A_16 = arith.constant 0 : index
    %get3A_17 = vector.load %arg2[%get3A_15, %get3A_16] : memref<832x512xf32, #tpu.memory_space<vmem>>, vector<832x512xf32>
    %get3A_18 = arith.constant 32 : index
    %get3A_19 = arith.constant 0 : index
    %get3A_20 = vector.load %arg6[%get3A_18, %get3A_19] : memref<864x512xf32, #tpu.memory_space<vmem>>, vector<832x512xf32>
    %dot_general3A_21 = arith.constant dense<0.000000e+00> : vector<512x512xf32>
    %dot_general3A_22 = tpu.matmul %get3A_17, %get3A_20, %dot_general3A_21 {dimension_numbers = #tpu.dot_dimension_numbers<[0], [0], [1], [1], [0, 1, 1, 1], [], []>, transpose_lhs_hint = false} : vector<832x512xf32>, vector<832x512xf32>, vector<512x512xf32> -> vector<512x512xf32>
    %add3A_23 = arith.addf %dot_general3A_14, %dot_general3A_22 : vector<512x512xf32>
    %get3A_24 = arith.constant 0 : index
    %get3A_25 = arith.constant 0 : index
    %get3A_26 = vector.load %arg7[%get3A_24, %get3A_25] : memref<1x512xf32, #tpu.memory_space<vmem>>, vector<1x512xf32>
    %add3A_27 = vector.broadcast %get3A_26 : vector<1x512xf32> to vector<512x512xf32>
    %add3A_28 = arith.addf %add3A_23, %add3A_27 : vector<512x512xf32>
    %max3A = arith.constant 0.000000e+00 : f32
    %max3A_29 = vector.broadcast %max3A : f32 to vector<512x512xf32>
    %max3A_30 = arith.maximumf %add3A_28, %max3A_29 : vector<512x512xf32>
    %get3A_31 = arith.constant 0 : index
    %get3A_32 = arith.constant 0 : index
    %get3A_33 = vector.load %arg8[%get3A_31, %get3A_32] : memref<512x256xf32, #tpu.memory_space<vmem>>, vector<512x256xf32>
    %dot_general3A_34 = arith.constant dense<0.000000e+00> : vector<512x256xf32>
    %dot_general3A_35 = tpu.matmul %max3A_30, %get3A_33, %dot_general3A_34 {dimension_numbers = #tpu.dot_dimension_numbers<[1], [0], [0], [1], [0, 0, 1, 1], [], []>, transpose_lhs_hint = false} : vector<512x512xf32>, vector<512x256xf32>, vector<512x256xf32> -> vector<512x256xf32>
    %get3A_36 = arith.constant 0 : index
    %get3A_37 = arith.constant 0 : index
    %get3A_38 = vector.load %arg9[%get3A_36, %get3A_37] : memref<1x256xf32, #tpu.memory_space<vmem>>, vector<1x256xf32>
    %add3A_39 = vector.broadcast %get3A_38 : vector<1x256xf32> to vector<512x256xf32>
    %add3A_40 = arith.addf %dot_general3A_35, %add3A_39 : vector<512x256xf32>
    %max3A_41 = arith.constant 0.000000e+00 : f32
    %max3A_42 = vector.broadcast %max3A_41 : f32 to vector<512x256xf32>
    %max3A_43 = arith.maximumf %add3A_40, %max3A_42 : vector<512x256xf32>
    %get3A_44 = arith.constant 0 : index
    %get3A_45 = arith.constant 0 : index
    %get3A_46 = vector.load %arg10[%get3A_44, %get3A_45] : memref<256x128xf32, #tpu.memory_space<vmem>>, vector<256x128xf32>
    %dot_general3A_47 = arith.constant dense<0.000000e+00> : vector<512x128xf32>
    %dot_general3A_48 = tpu.matmul %max3A_43, %get3A_46, %dot_general3A_47 {dimension_numbers = #tpu.dot_dimension_numbers<[1], [0], [0], [1], [0, 0, 1, 1], [], []>, transpose_lhs_hint = false} : vector<512x256xf32>, vector<256x128xf32>, vector<512x128xf32> -> vector<512x128xf32>
    %get3A_49 = arith.constant 0 : index
    %get3A_50 = arith.constant 0 : index
    %get3A_51 = vector.load %arg11[%get3A_49, %get3A_50] : memref<1x128xf32, #tpu.memory_space<vmem>>, vector<1x128xf32>
    %add3A_52 = vector.broadcast %get3A_51 : vector<1x128xf32> to vector<512x128xf32>
    %add3A_53 = arith.addf %dot_general3A_48, %add3A_52 : vector<512x128xf32>
    %swap3A = arith.constant 0 : index
    %swap3A_54 = arith.constant 0 : index
    %swap3A_55 = vector.load %arg12[%swap3A, %swap3A_54] : memref<512x129xf32, #tpu.memory_space<vmem>>, vector<512x128xf32>
    tpu.vector_store %arg12[%swap3A, %swap3A_54], %add3A_53 {strides = array<i32>} : memref<512x129xf32, #tpu.memory_space<vmem>>, vector<512x128xf32>,
    %get3A_56 = arith.constant 0 : index
    %get3A_57 = arith.constant 0 : index
    %get3A_58 = vector.load %arg3[%get3A_56, %get3A_57] : memref<512x1xf32, #tpu.memory_space<vmem>>, vector<512x1xf32>
    %swap3A_59 = arith.constant 0 : index
    %swap3A_60 = arith.constant 128 : index
    %swap3A_61 = vector.load %arg12[%swap3A_59, %swap3A_60] : memref<512x129xf32, #tpu.memory_space<vmem>>, vector<512x1xf32>
    tpu.vector_store %arg12[%swap3A_59, %swap3A_60], %get3A_58 {strides = array<i32>} : memref<512x129xf32, #tpu.memory_space<vmem>>, vector<512x1xf32>,
    return
  }
  func.func @transform_0(%arg0: i32) -> (i32, i32) {
    %c0_i32 = arith.constant 0 : i32
    %c0_i32_0 = arith.constant 0 : i32
    return %arg0, %c0_i32 : i32, i32
  }
  func.func @transform_1(%arg0: i32) -> (i32, i32) {
    %c0_i32 = arith.constant 0 : i32
    %c0_i32_0 = arith.constant 0 : i32
    return %c0_i32, %arg0 : i32, i32
  }
  func.func @transform_2(%arg0: i32) -> (i32, i32) {
    %c0_i32 = arith.constant 0 : i32
    %c0_i32_0 = arith.constant 0 : i32
    return %arg0, %c0_i32 : i32, i32
  }
  func.func @transform_3(%arg0: i32) -> (i32, i32) {
    %c0_i32 = arith.constant 0 : i32
    %c0_i32_0 = arith.constant 0 : i32
    %c0_i32_1 = arith.constant 0 : i32
    return %c0_i32, %c0_i32_0 : i32, i32
  }
  func.func @transform_4(%arg0: i32) -> (i32, i32) {
    %c0_i32 = arith.constant 0 : i32
    %c0_i32_0 = arith.constant 0 : i32
    %c0_i32_1 = arith.constant 0 : i32
    return %c0_i32, %c0_i32_0 : i32, i32
  }
  func.func @transform_5(%arg0: i32) -> (i32, i32) {
    %c0_i32 = arith.constant 0 : i32
    %c0_i32_0 = arith.constant 0 : i32
    %c0_i32_1 = arith.constant 0 : i32
    return %c0_i32, %c0_i32_0 : i32, i32
  }
  func.func @transform_6(%arg0: i32) -> (i32, i32) {
    %c0_i32 = arith.constant 0 : i32
    %c0_i32_0 = arith.constant 0 : i32
    %c0_i32_1 = arith.constant 0 : i32
    return %c0_i32, %c0_i32_0 : i32, i32
  }
  func.func @transform_7(%arg0: i32) -> (i32, i32) {
    %c0_i32 = arith.constant 0 : i32
    %c0_i32_0 = arith.constant 0 : i32
    %c0_i32_1 = arith.constant 0 : i32
    return %c0_i32, %c0_i32_0 : i32, i32
  }
  func.func @transform_8(%arg0: i32) -> (i32, i32) {
    %c0_i32 = arith.constant 0 : i32
    %c0_i32_0 = arith.constant 0 : i32
    %c0_i32_1 = arith.constant 0 : i32
    return %c0_i32, %c0_i32_0 : i32, i32
  }
  func.func @transform_9(%arg0: i32) -> (i32, i32) {
    %c0_i32 = arith.constant 0 : i32
    %c0_i32_0 = arith.constant 0 : i32
    %c0_i32_1 = arith.constant 0 : i32
    return %c0_i32, %c0_i32_0 : i32, i32
  }
  func.func @transform_10(%arg0: i32) -> (i32, i32) {
    %c0_i32 = arith.constant 0 : i32
    %c0_i32_0 = arith.constant 0 : i32
    %c0_i32_1 = arith.constant 0 : i32
    return %c0_i32, %c0_i32_0 : i32, i32
  }
  func.func @transform_11(%arg0: i32) -> (i32, i32) {
    %c0_i32 = arith.constant 0 : i32
    %c0_i32_0 = arith.constant 0 : i32
    return %arg0, %c0_i32 : i32, i32
  }
}

</mosaic_0001>

<sc_bundles>
// kernel: kernel.4.cloned.1.call-start
scs
__scs_entry_jumppad:
0x0: {  	(pc) =	sbr.rel $0x88, $3  }
0x1: {  	(tag) =	ssettag $0x0;
	lr =	simm.s32 $0x1  }
0x2: {  	[smem:$0x3F95] =	sst lr;
	_ =	strace $0xD0000000  }
0x3: {  	_ = 	snop  }
0x4: {  	_ = 	snop  }
0x5: {  	_ = 	snop  }
0x6: {  	_ = 	snop  }
0x7: {  	_ = 	snop  }
__scs_overlays_trampoline_lowered:
0x8: {  	[smem:$0x3FA4] =	sst s0  }
0x9: {  	[smem:$0x3FA5] =	sst s1  }
0xa: {  	[smem:$0x3FA6] =	sst s2  }
0xb: {  	[smem:$0x3FA7] =	sst s3  }
0xc: {  	[smem:$0x3FA8] =	sst s4  }
0xd: {  	[smem:$0x3FA9] =	sst s5  }
0xe: {  	[smem:$0x3FAA] =	sst s6  }
0xf: {  	[smem:$0x3FAB] =	sst s7  }
0x10: {  	[smem:$0x3FAC] =	sst s8  }
0x11: {  	[smem:$0x3FAD] =	sst s9;
	s0 =	simm.s32 @!p0 $0x0  }
0x12: {  	s1 =	sld [smem:$0x3F93];
	s0 =	simm.s32 @p0 $0x1  }
0x13: {  	[smem:$0x3FAE] =	sst s0;
	s0 =	simm.s32 @!p1 $0x0  }
0x14: {  	s2 =	sld [smem:$0x3F92];
	s0 =	simm.s32 @p1 $0x1  }
0x15: {  	[smem:$0x3FAF] =	sst s0;
	s0 =	simm.s32 @!p2 $0x0  }
0x16: {  	s3 =	sld [smem:$0x3FDB];
	s0 =	simm.s32 @p2 $0x1  }
0x17: {  	s4 =	simm.s32 $0x1BF5;
	[smem:$0x3FB1] =	sst s0  }
0x18: {  	s0 =	sld [smem:$0x3F94];
	_ =	swait.ge [sflag:s4], $0x0  }
0x19: {  	s7 =	sld [smem:$0x3F95]  }
0x1a: {  	s8 =	sadd.s32 $0xFFFFE003, lr  }
0x1b: {  	s9 =	sadd.s32 $0xFFFFFEF7, lr;
	s5 =	simm.s32 $0xFFFFFFFF;
	p2 =	slt.u32 s8, $0xFFFFF086  }
0x1c: {  	p1 =	slt.u32 s9, $0xF7A;
	s5 =	simm.s32 @!p2 $0x0  }
0x1d: {  	s5 =	simm.s32 @p1 $0x1;
	p0 =	seq.s32 s7, s2  }
0x1e: {  	s7 =	smul.u32 @!p0 $0xF7A, s2;
	p2 =	seq.s32 @!p0 s5, $0x0  }
0x1f: {  	s9 =	smul.u32 $0xF7A, s1;
	s8 =	simm.s32 @!p0 $0x1BF5;
	p2 =	por !p2, p0  }
0x20: {  	[sflag:s8] =	ssyncset.s32 @!p0 $0xFFFFF086;
	s6 =	sadd.s32 @!p0 s3, s7;
	s7 =	simm.s32 @!p0 $0x108  }
0x21: {  	s3 =	sadd.s32 s3, s9;
	s6 =	sadd.s32 @!p0 $0x88, s6;
	s7 =	simm.s32 @p2 $0x1082  }
0x22: {  	[simem:s7], [sflag:s8] =	dma.local @!p0 [hbm:s6], $0xF7A  }
0x23: {  	s9 =	sor.u32 $0xD0000000, s2;
	s6 =	simm.s32 $0x108;
	_ =	swait.ge @!p0 [sflag:s8], $0x0  }
0x24: {  	s3 =	sadd.s32 $0x88, s3;
	s6 =	simm.s32 @!p1 $0x1082;
	[sflag:s4] =	ssyncset.s32 $0xFFFFF086  }
0x25: {  	[simem:s6], [sflag:s4] =	dma.local [hbm:s3], $0xF7A  }
0x26: {  	[smem:$0x3F95] =	sst s1;
	(tag) =	ssettag s2;
	_ =	strace s9  }
0x27: {  	s1 =	sld [smem:$0x3FA5]  }
0x28: {  	s2 =	sld [smem:$0x3FA6]  }
0x29: {  	s4 =	sld [smem:$0x3FA8]  }
0x2a: {  	p0 =	seq.s32 s5, $0x0;
	s5 =	sld [smem:$0x3FA9]  }
0x2b: {  	s6 =	sld [smem:$0x3FAA]  }
0x2c: {  	s7 =	sld [smem:$0x3FAB]  }
0x2d: {  	s3 =	simm.s32 $0x108;
	s8 =	sld [smem:$0x3FAC]  }
0x2e: {  	s3 =	simm.s32 @!p0 $0x1082;
	s9 =	sld [smem:$0x3FAD]  }
0x2f: {  	lr =	sadd.s32 s0, s3;
	s0 =	sld [smem:$0x3FA4]  }
0x30: {  	s3 =	sld [smem:$0x3FA7]  }
0x31: {  	[smem:$0x3FB0] =	sst s10  }
0x32: {  	s10 =	sld [smem:$0x3FAE];
	_ =	sdelay $0x3  }
0x33: {  	p0 =	seq.s32 s10, $0x1;
	s10 =	sld [smem:$0x3FB0];
	_ =	sdelay $0x3  }
0x34: {  	[smem:$0x3FB0] =	sst s10  }
0x35: {  	s10 =	sld [smem:$0x3FAF];
	_ =	sdelay $0x3  }
0x36: {  	p1 =	seq.s32 s10, $0x1;
	s10 =	sld [smem:$0x3FB0];
	_ =	sdelay $0x3  }
0x37: {  	[smem:$0x3FB0] =	sst s10  }
0x38: {  	s10 =	sld [smem:$0x3FB1]  }
0x39: {  	_ = 	snop;
	(pc) =	sbr.ind lr, $3  }
0x3a: {  	_ = 	snop  }
0x3b: {  	_ = 	snop  }
0x3c: {  	p2 =	seq.s32 s10, $0x1;
	s10 =	sld [smem:$0x3FB0]  }
0x3d: {  	_ =	shalt  }
0x3e: {  	_ =	shalt  }
0x3f: {  	_ =	shalt  }
0x40: {  	_ =	shalt  }
0x41: {  	_ =	shalt  }
0x42: {  	_ =	shalt  }
0x43: {  	_ =	shalt  }
0x44: {  	_ =	shalt  }
0x45: {  	_ =	shalt  }
0x46: {  	_ =	shalt  }
0x47: {  	_ =	shalt  }
0x48: {  	_ =	shalt  }
0x49: {  	_ =	shalt  }
0x4a: {  	_ =	shalt  }
0x4b: {  	_ =	shalt  }
0x4c: {  	_ =	shalt  }
0x4d: {  	_ =	shalt  }
0x4e: {  	_ =	shalt  }
0x4f: {  	_ =	shalt  }
0x50: {  	_ =	shalt  }
0x51: {  	_ =	shalt  }
0x52: {  	_ =	shalt  }
0x53: {  	_ =	shalt  }
0x54: {  	_ =	shalt  }
0x55: {  	_ =	shalt  }
0x56: {  	_ =	shalt  }
0x57: {  	_ =	shalt  }
0x58: {  	_ =	shalt  }
0x59: {  	_ =	shalt  }
0x5a: {  	_ =	shalt  }
0x5b: {  	_ =	shalt  }
0x5c: {  	_ =	shalt  }
0x5d: {  	_ =	shalt  }
0x5e: {  	_ =	shalt  }
0x5f: {  	_ =	shalt  }
0x60: {  	_ =	shalt  }
0x61: {  	_ =	shalt  }
0x62: {  	_ =	shalt  }
0x63: {  	_ =	shalt  }
0x64: {  	_ =	shalt  }
0x65: {  	_ =	shalt  }
0x66: {  	_ =	shalt  }
0x67: {  	_ =	shalt  }
0x68: {  	_ =	shalt  }
0x69: {  	_ =	shalt  }
0x6a: {  	_ =	shalt  }
0x6b: {  	_ =	shalt  }
0x6c: {  	_ =	shalt  }
0x6d: {  	_ =	shalt  }
0x6e: {  	_ =	shalt  }
0x6f: {  	_ =	shalt  }
0x70: {  	_ =	shalt  }
0x71: {  	_ =	shalt  }
0x72: {  	_ =	shalt  }
0x73: {  	_ =	shalt  }
0x74: {  	_ =	shalt  }
0x75: {  	_ =	shalt  }
0x76: {  	_ =	shalt  }
0x77: {  	_ =	shalt  }
0x78: {  	_ =	shalt  }
0x79: {  	_ =	shalt  }
0x7a: {  	_ =	shalt  }
0x7b: {  	_ =	shalt  }
0x7c: {  	_ =	shalt  }
0x7d: {  	_ =	shalt  }
0x7e: {  	_ =	shalt  }
0x7f: {  	_ =	shalt  }
0x80: {  	_ =	shalt  }
0x81: {  	_ =	shalt  }
0x82: {  	_ =	shalt  }
0x83: {  	_ =	shalt  }
0x84: {  	_ =	shalt  }
0x85: {  	_ =	shalt  }
0x86: {  	_ =	shalt  }
0x87: {  	_ =	shalt  }
.Lfunc_end0:
.L_simem_size_0:
called_computation_lowered:
.L_overlay_start_0:
0x88: {  	s2 =	sld [smem:$0x3FD9]  }
0x89: {  	s3 =	sld [smem:$0x3FFE];
	_ =	sdelay $0x1  }
0x8a: {  	s1 =	srdreg.scid  }
0x8b: {  	s0 =	sand.u32 $0x1, s1  }
0x8c: {  	s17 =	sshll.u32 s0, $0xA;
	s2 =	sadd.s32 s3, s2  }
0x8d: {  	s2 =	sadd.s32 s2, s17  }
0x8e: {  	[smem:$0x3FBC] =	sst s2  }
0x8f: {  	_ = 	snop  }
0x90: {  	s2 =	sld [smem:$0x3FD0];
	(tm) =	ssettm $0x1  }
0x91: {  	s18 =	sld [smem:$0x3FFB];
	_ =	sdelay $0x3  }
0x92: {  	_ =	strace s18  }
0x93: {  	s3 =	sld [smem:$0x3FFC];
	_ =	sdelay $0x3  }
0x94: {  	_ =	strace s3  }
0x95: {  	s3 =	sld [smem:$0x3FFD];
	_ =	sdelay $0x3  }
0x96: {  	_ =	strace s3  }
0x97: {  	_ =	strace $0x8FFFFFFF  }
0x98: {  	s19 =	sld [smem:$0x3FDB];
	_ =	sdelay $0x1  }
0x99: {  	s4 =	simm.s32 $_scs_section_size  }
0x9a: {  	s5 =	simm.s32 $_size__tile_overlayer_lowered;
	s6 =	simm.s32 $_tile_overlayer_lowered  }
0x9b: {  	s22 =	simm.s32 $0x1BFF;
	s21 =	sshll.u32 s6, $0x1;
	s3 =	sadd.s32 s4, s19  }
0x9c: {  	s7 =	simm.s32 $0x0;
	s20 =	sshll.u32 s5, $0x1;
	s5 =	sadd.s32 s21, s3  }
0x9d: {  	[timem:s7], [sflag:s22] =	dma.local [hbm:s5], s20  }
0x9e: {  	_ =	swait.ge [sflag:s22], s20  }
0x9f: {  	s4 =	ssub.s32 $0x0, s20;
	[sflag:s22] =	ssyncset.done $0x0  }
0xa0: {  	[sflag:s22] =	ssyncadd.s32 s4;
	_ =	sdelay $0x1  }
0xa1: {  	s23 =	simm.s32 $0x1B8B  }
0xa2: {  	_ =	swait.ge [sflag:s23], $0x1  }
0xa3: {  	[sflag:s23] =	ssyncset.done $0x0  }
0xa4: {  	s25 =	simm.s32 $0x1B8E;
	s24 =	sld [smem:$0x3FFE];
	[sflag:s23] =	ssyncadd.s32 $0xFFFFFFFF  }
0xa5: {  	s26 =	simm.s32 $execute0_lowered;
	[smem:$0x3FD2] =	sst s25  }
0xa6: {  	s5 =	sshll.u32 s26, $0x1;
	_ =	strace $0x80000046;
	[dreg:$0x1] =	wrdreg $0xFFFFFFFF  }
0xa7: {  	s28 =	simm.s32 $_size_execute0_lowered;
	s3 =	sadd.s32 s3, s5;
	[dreg:$0x0] =	wrdreg $0x0  }
0xa8: {  	s5 =	sshll.u32 s28, $0x1;
	[dreg:$0x2] =	wrdreg s3  }
0xa9: {  	[dreg:$0x3] =	wrdreg s5  }
0xaa: {  	[dreg:$0x4] =	wrdreg $0xC0  }
0xab: {  	_ =	task [dreg:s7], $0x5FFFF  }
0xac: {  	[dreg:$0x1] =	wrdreg $0xFFFFFFFF  }
0xad: {  	[dreg:$0x0] =	wrdreg $0x60  }
0xae: {  	[dreg:$0x2] =	wrdreg s24  }
0xaf: {  	[dreg:$0x3] =	wrdreg s2  }
0xb0: {  	[dreg:$0x4] =	wrdreg $0x9  }
0xb1: {  	_ =	task.clear_ibuf [dreg:s7], $0x5FFFF;
	_ =	strace $0x90000046  }
0xb2: {  	s29 =	simm.s32 $0x9;
	_ =	strace $0x80000048  }
0xb3: {  	_ =	swait.ge [sflag:s29], $0x1  }
0xb4: {  	[sflag:s29] =	ssyncadd.s32 $0xFFFFFFFF  }
0xb5: {  	_ =	strace $0x90000048  }
0xb6: {  	_ =	sfence  }
0xb7: {  	s30 =	sld [smem:$0x0];
	_ =	sdelay $0x2  }
0xb8: {  	s31 =	sshll.u32 s1, $0xD;
	s1 =	sshrl.u32 s1, $0x2  }
0xb9: {  	s3 =	sand.u32 $0x4000, s31;
	s1 =	sadd.s32 s1, s30  }
0xba: {  	s0 =	sor.u32 s3, s0;
	s1 =	sshll.u32 s1, $0x11  }
0xbb: {  	s0 =	sor.u32 s1, s0  }
0xbc: {  	s0 =	sadd.s32 $0x8F2B, s0  }
0xbd: {  	[sflag:s0] =	ssyncadd.remote.s32 $0x1  }
0xbe: {  	_ =	sfence.sel $0xFFFF  }
0xbf: {  	[dreg:$0x0] =	wrdreg $0xFFFFFFFF;
	(pc) =	sbr.abs _section_cstart, $3  }
0xc0: {  	[dreg:$0x1] =	wrdreg $0xFFFFFFFF  }
0xc1: {  	_ =	task.clear_ibuf [dreg:s7], $0x2FFFF;
	_ =	strace $0x9FFFFFFF  }
0xc2: {  	(tm) =	ssettm $0x7FFFFFFF  }
0xc3: {  	_ =	shalt  }
tec
execute0_lowered:
.L_overlay_start_1:
0x0: {  	(tag) =	ssettag $0x1  }
0x1: {  	s0 =	rddreg [dreg:$0x0]  }
0x2: {  	s1 =	rddreg [dreg:$0x1]  }
0x3: {  	s2 =	simm.s32 $0x0;
	s3 =	srdreg.scid;
	s11 =	stileid.u32  }
0x4: {  	s20 =	simm.s32 $0x4;
	s21 =	simm.s32 $0x1000;
	s28 =	simm.s32 $0x2  }
0x5: {  	s29 =	simm.s32 $0x80;
	s31 =	simm.s32 $0x6D80;
	s30 =	simm.s32 $0x0  }
0x6: {  	[smem:$0x7FF] =	sst s2;
	s7 =	sand.u32 $0x1, s3;
	s4 =	sadd.s32 $0x9ECE00, s0  }
0x7: {  	s5 =	sshll.u32 s11, $0x1;
	s6 =	sadd.s32 $0xA3C400, s0;
	s11 =	smul.u32 $0x34, s11  }
0x8: {  	s8 =	sor.u32 s7, s5;
	s9 =	ssub.s32 $0x2, s7;
	s7 =	smul.u32 $0x1A, s7  }
0x9: {  	s3 =	sadd.s32 $0x1C00, s0;
	_ =	strace $0x80000047;
	s5 =	smul.u32 $0x1A, s8  }
0xa: {  	s12 =	sshll.u32 s8, $0x4;
	s10 =	sshrl.u32 s9, $0x1;
	s14 =	smul.u32 $0x27AC40, s8  }
0xb: {  	s8 =	smul.u32 $0x1A000, s8;
	s0 =	sadd.s32 s12, s0;
	s13 =	ssub.s32 s9, s10  }
0xc: {  	s7 =	sadd.s32 s7, s11;
	s22 =	sshrl.u32 s5, $0x5;
	s23 =	sshll.u32 s5, $0x4  }
0xd: {  	s15 =	sadd.s32 $0x186A0, s14;
	s8 =	sshrl.u32 s8, $0x3;
	s11 =	sadd.s32 $0x3, s5  }
0xe: {  	s16 =	sshll.u32 s7, $0x9;
	s0 =	sadd.s32 $0xAA4400, s0;
	s26 =	smax.u32 s13, $0x1  }
0xf: {  	s9 =	smin.u32 s22, $0x18;
	s10 =	sand.u32 $0x3E00, s23;
	[dreg:$0x8] =	wrdreg s0  }
0x10: {  	s8 =	sadd.s32 s6, s8;
	s24 =	sand.u32 $0xFC000, s16;
	[dreg:$0x9] =	wrdreg s26  }
0x11: {  	s22 =	simm.s32 $0x2D00;
	s23 =	simm.s32 $0x4D00;
	s26 =	simm.s32 $0x1  }
0x12: {  	s0 =	simm.s32 $0x3;
	s9 =	sshll.u32 s9, $0x9;
	s10 =	sadd.s32 s1, s10  }
0x13: {  	s17 =	sadd.s32 $0x3000, s8;
	s8 =	sadd.s32 $0x3200, s8;
	[dreg:$0x3] =	wrdreg s10  }
0x14: {  	s25 =	ssub.s32 $0x0, s24;
	s24 =	simm.s32 $0x3D00;
	[dreg:$0x5] =	wrdreg s17  }
0x15: {  	s9 =	sadd.s32 s9, s1;
	s10 =	sor.u32 $0x1, s5;
	[dreg:$0x6] =	wrdreg s8  }
0x16: {  	s1 =	sadd.s32 s1, s12;
	s17 =	sshra.s32 s25, $0x2;
	s8 =	sadd.s32 $0x2, s7  }
0x17: {  	s7 =	sadd.s32 $0x3, s7;
	s9 =	sadd.s32 $0x200, s9;
	[dreg:$0x7] =	wrdreg s1  }
0x18: {  	v2 =	vimm.f32 $0.0e+00;
	v0 =	vmov s14;
	v1 =	vmov s15;
	s25 =	simm.s32 $0x5D00;
	[dreg:$0x4] =	wrdreg s9;
	s9 =	sadd.s32 $0x2, s5  }
.LBB2_1:
0x19: {  	s1 =	rddreg [dreg:$0x3]  }
0x1a: {  	[tilespmem:s2], [sflag:$0x4] =	stream.linear.gather [hbm4b:s1+s2], $0x1000, $0x38;
	[tilespmem:$0x6E00] =	vst v63  }
0x1b: {  	_ =	swait.ge [sflag:s20], $0x1000  }
0x1c: {  	[sflag:s20] =	ssyncset.done $0x0  }
0x1d: {  	s19 =	rddreg [dreg:$0x4];
	[sflag:s20] =	ssyncadd.s32 $0xFFFFF000  }
0x1e: {  	[tilespmem:s21], [sflag:$0x4] =	stream.linear.gather [hbm4b:s19+s2], $0x1000, $0x38;
	[tilespmem:$0x6E00] =	vst v63  }
0x1f: {  	_ =	swait.ge [sflag:s20], $0x1000  }
0x20: {  	[sflag:s20] =	ssyncset.done $0x0  }
0x21: {  	s1 =	simm.s32 $0x0;
	[sflag:s20] =	ssyncadd.s32 $0xFFFFF000  }
0x22: {  	s12 =	simm.s32 $0x40;
	v3 =	vld [tilespmem:s1+$0x0]  }
.LBB2_2:
0x23: {  	p0 =	sne.s32 s12, $0x3FC0  }
.Ltmp0:
0x24: {  	_ = 	snop;
	(pc) =	sbr.rel @p0 .LBB2_2-.Ltmp0, $3  }
0x25: {  	_ =	sdelay $0x1  }
0x26: {  	s13 =	sshra.s32 s12, $0x2;
	s12 =	sadd.s32 $0x40, s12;
	v4 =	vadd.s32 v0, v3  }
0x27: {  	v3 =	vld [tilespmem:s13+$0x0];
	[tilespmem:s1+$0x2D00] =	vst v4;
	s1 =	smov.u32 s13  }
0x28: {  	_ =	sdelay $0x3  }
0x29: {  	v3 =	vadd.s32 v0, v3  }
0x2a: {  	[tilespmem:s1+$0x2D00] =	vst v3;
	s1 =	simm.s32 $0x0  }
0x2b: {  	[tilespmem:s23], [sflag:$0x1] =	stream.indirect.gather [hbm4b:s3+s21], $0x1, s22, s21, $0xb8;
	[tilespmem:$0x6E00] =	vst v63  }
0x2c: {  	s12 =	simm.s32 $0x40;
	v3 =	vld [tilespmem:s1+$0x0]  }
.LBB2_4:
0x2d: {  	p0 =	sne.s32 s12, $0x3FC0  }
.Ltmp1:
0x2e: {  	_ = 	snop;
	(pc) =	sbr.rel @p0 .LBB2_4-.Ltmp1, $3  }
0x2f: {  	_ =	sdelay $0x1  }
0x30: {  	s13 =	sshra.s32 s12, $0x2;
	s12 =	sadd.s32 $0x40, s12;
	v4 =	vadd.s32 v1, v3  }
0x31: {  	v3 =	vld [tilespmem:s13+$0x0];
	[tilespmem:s1+$0x3D00] =	vst v4;
	s1 =	smov.u32 s13  }
0x32: {  	_ =	sdelay $0x3  }
0x33: {  	s19 =	smov.u32 s7;
	v3 =	vadd.s32 v1, v3  }
0x34: {  	s18 =	smov.u32 s8;
	s12 =	simm.s32 $0x0;
	[tilespmem:s1+$0x3D00] =	vst v3;
	s1 =	simm.s32 $0x0  }
0x35: {  	[tilespmem:s25], [sflag:$0x2] =	stream.indirect.gather [hbm4b:s3+s21], $0x1, s24, s21, $0xb8;
	[tilespmem:$0x6E00] =	vst v63  }
.LBB2_6:
0x36: {  	s13 =	sshll.u32 s12, $0x1  }
0x37: {  	_ =	swait.ge [sflag:s26], $0x1000;
	s14 =	sadd.s32 s5, s13  }
0x38: {  	[sflag:s26] =	ssyncset.done $0x0;
	s14 =	sshll.u32 s14, $0x9  }
0x39: {  	s15 =	sshll.u32 s19, $0x7;
	[sflag:s26] =	ssyncadd.s32 $0xFFFFF000;
	s14 =	sadd.s32 s6, s14  }
0x3a: {  	[hbm4b:s14+s1] =	stream.linear.scatter [tilespmem:s23], [sflag:$0x4], $0x1000, $0x38;
	[tilespmem:$0x6E00] =	vst v63  }
0x3b: {  	s14 =	sand.u32 $0x3FFFF000, s15;
	s15 =	sshll.u32 s18, $0x7  }
0x3c: {  	s15 =	sand.u32 $0x3FFFF000, s15  }
0x3d: {  	s15 =	sadd.s32 s15, s17  }
0x3e: {  	s16 =	sadd.s32 s13, s9;
	v4 =	vmov s15  }
0x3f: {  	s16 =	smul.u32 $0x186A0, s16  }
0x40: {  	_ =	swait.ge [sflag:s20], $0x1000  }
0x41: {  	v3 =	vmov s16;
	s16 =	simm.s32 $0x40;
	[sflag:s20] =	ssyncset.done $0x0  }
0x42: {  	s14 =	sadd.s32 s14, s17;
	[sflag:s20] =	ssyncadd.s32 $0xFFFFF000;
	s15 =	simm.s32 $0x0  }
.LBB2_7:
0x43: {  	p0 =	sne.s32 s16, $0x3FC0;
	v5 =	vld.idx.msk [tilespmem:v4+s15+$0x0 ss:$0x1], $0xffff;
	_ =	sdelay $0x2  }
.Ltmp2:
0x44: {  	(pc) =	sbr.rel @p0 .LBB2_7-.Ltmp2, $3  }
0x45: {  	_ =	sdelay $0x1  }
0x46: {  	v5 =	vadd.s32 v3, v5  }
0x47: {  	[tilespmem:s15+$0x2D00] =	vst v5;
	s15 =	sshra.s32 s16, $0x2;
	s16 =	sadd.s32 $0x40, s16  }
0x48: {  	_ =	sdelay $0x3  }
0x49: {  	v4 =	vld.idx.msk [tilespmem:v4+s15+$0x0 ss:$0x1], $0xffff;
	_ =	sdelay $0x4  }
0x4a: {  	v3 =	vadd.s32 v3, v4  }
0x4b: {  	s16 =	sadd.s32 s13, s10;
	[tilespmem:s15+$0x2D00] =	vst v3  }
0x4c: {  	[tilespmem:s23], [sflag:$0x1] =	stream.indirect.gather [hbm4b:s3+s21], $0x1, s22, s21, $0xb8;
	[tilespmem:$0x6E00] =	vst v63  }
0x4d: {  	s15 =	sshll.u32 s16, $0x9;
	_ =	swait.ge [sflag:s28], $0x1000  }
0x4e: {  	s15 =	sand.u32 $0x1FFFFE00, s15;
	[sflag:s28] =	ssyncset.done $0x0  }
0x4f: {  	s16 =	simm.s32 $0x0;
	s15 =	sadd.s32 s6, s15;
	[sflag:s28] =	ssyncadd.s32 $0xFFFFF000  }
0x50: {  	v4 =	vmov s14;
	[hbm4b:s15+s16] =	stream.linear.scatter [tilespmem:s25], [sflag:$0x4], $0x1000, $0x38;
	[tilespmem:$0x6E00] =	vst v63  }
0x51: {  	s16 =	sadd.s32 s13, s11  }
0x52: {  	_ =	swait.ge [sflag:s20], $0x1000;
	s13 =	smul.u32 $0x186A0, s16  }
0x53: {  	[sflag:s20] =	ssyncset.done $0x0  }
0x54: {  	s14 =	simm.s32 $0x40;
	[sflag:s20] =	ssyncadd.s32 $0xFFFFF000;
	v3 =	vmov s13;
	s13 =	simm.s32 $0x0  }
.LBB2_9:
0x55: {  	p0 =	sne.s32 s14, $0x3FC0;
	v5 =	vld.idx.msk [tilespmem:v4+s13+$0x0 ss:$0x1], $0xffff;
	_ =	sdelay $0x2  }
.Ltmp3:
0x56: {  	(pc) =	sbr.rel @p0 .LBB2_9-.Ltmp3, $3  }
0x57: {  	_ =	sdelay $0x1  }
0x58: {  	v5 =	vadd.s32 v3, v5  }
0x59: {  	[tilespmem:s13+$0x3D00] =	vst v5;
	s13 =	sshra.s32 s14, $0x2;
	s14 =	sadd.s32 $0x40, s14  }
0x5a: {  	_ =	sdelay $0x3  }
0x5b: {  	v4 =	vld.idx.msk [tilespmem:v4+s13+$0x0 ss:$0x1], $0xffff  }
0x5c: {  	s12 =	sadd.s32 $0x1, s12  }
0x5d: {  	p0 =	sne.s32 s12, $0xC  }
.Ltmp4:
0x5e: {  	_ = 	snop;
	(pc) =	sbr.rel @p0 .LBB2_6-.Ltmp4, $4  }
0x5f: {  	_ = 	snop  }
0x60: {  	v3 =	vadd.s32 v3, v4  }
0x61: {  	s18 =	sadd.s32 $0x2, s18;
	s19 =	sadd.s32 $0x2, s19;
	[tilespmem:s13+$0x3D00] =	vst v3  }
0x62: {  	[tilespmem:s25], [sflag:$0x2] =	stream.indirect.gather [hbm4b:s3+s21], $0x1, s24, s21, $0xb8;
	[tilespmem:$0x6E00] =	vst v63  }
0x63: {  	_ =	swait.ge [sflag:s26], $0x1000  }
0x64: {  	[sflag:s26] =	ssyncset.done $0x0  }
0x65: {  	s1 =	simm.s32 $0x0;
	s12 =	rddreg [dreg:$0x5];
	[sflag:s26] =	ssyncadd.s32 $0xFFFFF000  }
0x66: {  	[hbm4b:s12+s1] =	stream.linear.scatter [tilespmem:s23], [sflag:$0x4], $0x1000, $0x38;
	[tilespmem:$0x6E00] =	vst v63  }
0x67: {  	_ =	swait.ge [sflag:s20], $0x1000  }
0x68: {  	[sflag:s20] =	ssyncset.done $0x0  }
0x69: {  	[sflag:s20] =	ssyncadd.s32 $0xFFFFF000  }
0x6a: {  	_ =	swait.ge [sflag:s28], $0x1000  }
0x6b: {  	[sflag:s28] =	ssyncset.done $0x0  }
0x6c: {  	s15 =	rddreg [dreg:$0x6];
	[sflag:s28] =	ssyncadd.s32 $0xFFFFF000  }
0x6d: {  	[hbm4b:s15+s1] =	stream.linear.scatter [tilespmem:s25], [sflag:$0x4], $0x1000, $0x38;
	[tilespmem:$0x6E00] =	vst v63  }
0x6e: {  	_ =	swait.ge [sflag:s20], $0x1000  }
0x6f: {  	[sflag:s20] =	ssyncset.done $0x0  }
0x70: {  	s18 =	simm.s32 $0x2000;
	s16 =	rddreg [dreg:$0x7];
	[sflag:s20] =	ssyncadd.s32 $0xFFFFF000  }
0x71: {  	[tilespmem:s18], [sflag:$0x4] =	stream.strided.gather [hbm4b:s16+s29], $0xD00, s21, s29, $0x38;
	[tilespmem:$0x6E00] =	vst v63  }
0x72: {  	_ =	swait.ge [sflag:s20], $0xD00  }
0x73: {  	[sflag:s20] =	ssyncset.done $0x0  }
0x74: {  	[sflag:s20] =	ssyncadd.s32 $0xFFFFF300  }
0x75: {  	[tilespmem:$0x6D00] =	vst v2  }
0x76: {  	[tilespmem:$0x6D10] =	vst v2  }
0x77: {  	[tilespmem:$0x6D20] =	vst v2  }
0x78: {  	[tilespmem:$0x6D30] =	vst v2  }
0x79: {  	[tilespmem:$0x6D40] =	vst v2  }
0x7a: {  	[tilespmem:$0x6D50] =	vst v2  }
0x7b: {  	[tilespmem:$0x6D60] =	vst v2  }
0x7c: {  	s19 =	simm.s32 $0x2000;
	[tilespmem:$0x6D70] =	vst v2  }
0x7d: {  	[tilespmem:s31], [sflag:$0x3] =	stream.indirect.gather [hbm4b:s4+s29], $0x1, s19, s29, $0xb8;
	[tilespmem:$0x6E00] =	vst v63  }
0x7e: {  	_ =	swait.ge [sflag:s0], $0x80  }
0x7f: {  	[sflag:s0] =	ssyncset.done $0x0  }
0x80: {  	[sflag:s0] =	ssyncadd.s32 $0xFFFFFF80  }
0x81: {  	v6 =	vld [tilespmem:$0x6DF0]  }
0x82: {  	v5 =	vld [tilespmem:$0x6DE0]  }
0x83: {  	v3 =	vld [tilespmem:$0x6DD0]  }
0x84: {  	v8 =	vld [tilespmem:$0x6DB0]  }
0x85: {  	v7 =	vld [tilespmem:$0x6DA0]  }
0x86: {  	s1 =	simm.s32 $0x200;
	v4 =	vld [tilespmem:$0x6DC0]  }
.LBB2_12:
0x87: {  	p0 =	sne.s32 s1, $0x3200;
	v9 =	vld [tilespmem:$0x6D90];
	s12 =	smov.u32 s1;
	s1 =	sadd.s32 $0x200, s1  }
0x88: {  	v10 =	vld [tilespmem:$0x6D80]  }
0x89: {  	v11 =	vld [tilespmem:$0x6D30]  }
0x8a: {  	v12 =	vld [tilespmem:$0x6D20]  }
0x8b: {  	v13 =	vld [tilespmem:$0x6D70]  }
0x8c: {  	v14 =	vld [tilespmem:$0x6D10]  }
0x8d: {  	v15 =	vld [tilespmem:$0x6D60]  }
0x8e: {  	v8 =	vadd.f32 v8, v11;
	v11 =	vld [tilespmem:$0x6D50]  }
0x8f: {  	v16 =	vld [tilespmem:$0x6D00];
	v7 =	vadd.f32 v7, v12  }
0x90: {  	[tilespmem:$0x6D30] =	vst v8;
	v8 =	vld [tilespmem:$0x6D40];
	v6 =	vadd.f32 v6, v13  }
0x91: {  	v9 =	vadd.f32 v9, v14;
	[tilespmem:$0x6D20] =	vst v7  }
0x92: {  	v5 =	vadd.f32 v5, v15;
	[tilespmem:$0x6D70] =	vst v6  }
0x93: {  	[tilespmem:$0x6D10] =	vst v9;
	v3 =	vadd.f32 v3, v11  }
0x94: {  	v6 =	vadd.f32 v10, v16;
	[tilespmem:$0x6D60] =	vst v5  }
0x95: {  	s12 =	sshra.s32 s12, $0x2;
	v4 =	vadd.f32 v4, v8;
	[tilespmem:$0x6D50] =	vst v3  }
0x96: {  	s12 =	sadd.s32 $0x2000, s12;
	[tilespmem:$0x6D00] =	vst v6  }
0x97: {  	[tilespmem:$0x6D40] =	vst v4  }
0x98: {  	[tilespmem:s31], [sflag:$0x3] =	stream.indirect.gather [hbm4b:s4+s29], $0x1, s12, s29, $0xb8;
	[tilespmem:$0x6E00] =	vst v63  }
0x99: {  	_ =	swait.ge [sflag:s0], $0x80  }
0x9a: {  	[sflag:s0] =	ssyncset.done $0x0  }
0x9b: {  	[sflag:s0] =	ssyncadd.s32 $0xFFFFFF80  }
0x9c: {  	v6 =	vld [tilespmem:$0x6DF0]  }
.Ltmp5:
0x9d: {  	v5 =	vld [tilespmem:$0x6DE0];
	(pc) =	sbr.rel @p0 .LBB2_12-.Ltmp5, $4  }
0x9e: {  	v3 =	vld [tilespmem:$0x6DD0]  }
0x9f: {  	v8 =	vld [tilespmem:$0x6DB0]  }
0xa0: {  	v7 =	vld [tilespmem:$0x6DA0]  }
0xa1: {  	v4 =	vld [tilespmem:$0x6DC0]  }
0xa2: {  	v9 =	vld [tilespmem:$0x6D90]  }
0xa3: {  	v10 =	vld [tilespmem:$0x6D80]  }
0xa4: {  	v11 =	vld [tilespmem:$0x6D30]  }
0xa5: {  	v12 =	vld [tilespmem:$0x6D20]  }
0xa6: {  	v13 =	vld [tilespmem:$0x6D70]  }
0xa7: {  	v14 =	vld [tilespmem:$0x6D10]  }
0xa8: {  	v15 =	vld [tilespmem:$0x6D60]  }
0xa9: {  	v61 =	vld [tilespmem:$0x6D50];
	v8 =	vadd.f32 v8, v11  }
0xaa: {  	v16 =	vld [tilespmem:$0x6D00];
	v7 =	vadd.f32 v7, v12  }
0xab: {  	v62 =	vld [tilespmem:$0x6D40];
	v6 =	vadd.f32 v6, v13;
	[tilespmem:$0x6D30] =	vst v8  }
0xac: {  	v9 =	vadd.f32 v9, v14;
	[tilespmem:$0x6D20] =	vst v7  }
0xad: {  	v5 =	vadd.f32 v5, v15;
	[tilespmem:$0x6D70] =	vst v6  }
0xae: {  	v3 =	vadd.f32 v3, v61;
	[tilespmem:$0x6D10] =	vst v9  }
0xaf: {  	v63 =	vadd.f32 v10, v16;
	[tilespmem:$0x6D60] =	vst v5  }
0xb0: {  	v4 =	vadd.f32 v4, v62;
	[tilespmem:$0x6D50] =	vst v3  }
0xb1: {  	[tilespmem:$0x6D00] =	vst v63  }
0xb2: {  	s1 =	rddreg [dreg:$0x8];
	s12 =	simm.s32 $0x6D00;
	[tilespmem:$0x6D40] =	vst v4  }
0xb3: {  	[hbm4b:s1+s2] =	stream.linear.scatter [tilespmem:s12], [sflag:$0x4], $0x80, $0x38;
	[tilespmem:$0x6E00] =	vst v63  }
0xb4: {  	_ =	swait.ge [sflag:s20], $0x80  }
0xb5: {  	s30 =	sadd.s32 $0x1, s30;
	s19 =	rddreg [dreg:$0x9]  }
0xb6: {  	p0 =	sne.s32 s30, s19  }
.Ltmp6:
0xb7: {  	_ = 	snop;
	(pc) =	sbr.rel @p0 .LBB2_1-.Ltmp6, $3  }
0xb8: {  	_ =	sdelay $0x1  }
0xb9: {  	[sflag:s20] =	ssyncset.done $0x0  }
0xba: {  	[sflag:s20] =	ssyncadd.s32 $0xFFFFFF80  }
0xbb: {  	_ =	sfence.sel $0x180000  }
0xbc: {  	[bflag:$0x0] =	sbarrier.arrive $0xFFFF  }
0xbd: {  	_ =	strace $0x90000047  }
0xbe: {  	s0 =	stileid.u32;
	[bflag:$0x2] =	sbarrier.arrive $0xFFFF  }
0xbf: {  	p0 =	sne.s32 s0, $0x0;
	s0 =	rddreg [dreg:$0x2]  }
0xc0: {  	s0 =	sadd.s32 @!p0 $0x100000, s0  }
0xc1: {  	[sflag:s0] =	ssyncadd.tile.s32 @!p0 $0x1;
	_ =	shalt  }
.Lfunc_end2:
_tile_overlayer_lowered:
.L_overlay_start_2:
0xc2: {  	(tag) =	ssettag $0x2  }
0xc3: {  	s0 =	rddreg [dreg:$0x0];
	s2 =	stileid.u32  }
0xc4: {  	s1 =	rddreg [dreg:$0x1];
	p0 =	sne.s32 s2, $0x0  }
0xc5: {  	s3 =	rddreg [dreg:$0x2];
	[bflag:$0x3] =	sbarrier.arrive $0xFFFF;
	s2 =	simm.s32 @!p0 $0x1C04  }
0xc6: {  	[timem:s3], [sflag:s2] =	dma.local @!p0 [hbm:s0], s1  }
0xc7: {  	s0 =	simm.s32 @!p0 $0x4  }
0xc8: {  	_ =	swait.ge @!p0 [sflag:s0], s1  }
0xc9: {  	s1 =	ssub.s32 @!p0 $0x0, s1;
	[sflag:s0] =	ssyncset.done @!p0 $0x0  }
0xca: {  	[sflag:s0] =	ssyncadd.s32 @!p0 s1  }
0xcb: {  	[bflag:$0x3] =	sbarrier.arrive $0xFFFF  }
0xcc: {  	_ =	shalt  }

</sc_bundles>
